<compile_context>
chip_gen: v7x
topology: tpu7x:2x2x1
jax: 0.10.2.dev20260603
libtpu: 0.0.44.dev20260713+nightly
codegen_flags: <defaults>
</compile_context>

<pallas_src>
import functools

import jax
import jax.numpy as jnp
from jax import lax
from jax.experimental import pallas as pl
from jax.experimental.pallas import tpu as pltpu
from jax.experimental.pallas import tpu_sc as plsc

NUM_EMB = 1024
DIM = 64
B, S = 16, 576
ROWS = B * S
NCHUNK = 4
BCH = B // NCHUNK
BLK = BCH * S
IDXPAD = 4096
GDIM = 128


def _prep_body(embT_ref, aux_ref, emb2T_ref, pad_ref):
    eT = embT_ref[...]
    se_row = jnp.sum(eT * eT, axis=0, keepdims=True)
    aux_ref[:, 0:1] = se_row.reshape(NUM_EMB, 1)
    aux_ref[:, 1:2] = lax.broadcasted_iota(
        jnp.int32, (NUM_EMB, 1), 0).astype(jnp.float32)
    emb2T_ref[...] = eT * (-2.0)
    pad_ref[:, 0:DIM] = jnp.swapaxes(eT, 0, 1)


def _prep(embT):
    return pl.pallas_call(
        _prep_body,
        out_shape=[jax.ShapeDtypeStruct((NUM_EMB, 128), jnp.float32),
                   jax.ShapeDtypeStruct((DIM, NUM_EMB), jnp.float32),
                   jax.ShapeDtypeStruct((NUM_EMB, GDIM), jnp.float32)],
    )(embT)


def _argmin_body(xt_ref, aux_ref, emb2T_ref, idx_ref):
    se = aux_ref[:, 0:1]
    iota = aux_ref[:, 1:2]
    xall = jnp.concatenate([xt_ref[b] for b in range(BCH)], axis=1)
    sx = jnp.sum(xall * xall, axis=0, keepdims=True)
    dot2 = lax.dot_general(emb2T_ref[...], xall, (((0,), (0,)), ((), ())),
                           preferred_element_type=jnp.float32)
    d = (sx + se) + dot2
    m = jnp.min(d, axis=0, keepdims=True)
    cand = jnp.where(d == m, iota, float(NUM_EMB))
    idx_ref[pl.ds(0, BLK)] = jnp.min(cand, axis=0).astype(jnp.int32)


def _chunk_indices(xt, aux, emb2T, c):
    return pl.pallas_call(
        _argmin_body,
        grid=(1,),
        in_specs=[
            pl.BlockSpec((BCH, DIM, S), lambda i, c=c: (c, 0, 0)),
            pl.BlockSpec((NUM_EMB, 128), lambda i: (0, 0)),
            pl.BlockSpec((DIM, NUM_EMB), lambda i: (0, 0)),
        ],
        out_specs=pl.BlockSpec((IDXPAD,), lambda i: (0,)),
        out_shape=jax.ShapeDtypeStruct((IDXPAD,), jnp.int32),
    )(xt, aux, emb2T)


@functools.cache
def _make_gather():
    info = plsc.get_sparse_core_info()
    nw = info.num_cores * info.num_subcores
    b_per_w = BLK // nw

    @functools.partial(
        pl.kernel,
        out_type=jax.ShapeDtypeStruct((BLK, GDIM), jnp.float32),
        mesh=plsc.VectorSubcoreMesh(core_axis_name="c", subcore_axis_name="s"),
        scratch_types=[
            pltpu.VMEM((b_per_w,), jnp.int32),
            pltpu.VMEM((b_per_w, GDIM), jnp.float32),
            pltpu.SemaphoreType.DMA,
        ],
    )
    def _gather_rows(emb_hbm, idx_hbm, out_hbm, idx_v, rows_v, sem):
        wid = lax.axis_index("s") * info.num_cores + lax.axis_index("c")
        base = wid * b_per_w
        pltpu.sync_copy(idx_hbm.at[pl.ds(base, b_per_w)], idx_v)
        pltpu.async_copy(emb_hbm.at[idx_v], rows_v, sem).wait()
        pltpu.sync_copy(rows_v, out_hbm.at[pl.ds(base, b_per_w)])

    return _gather_rows


def kernel(inputs, emb_weight):
    xt = jnp.swapaxes(inputs, 1, 2)
    embT = jnp.swapaxes(emb_weight, 0, 1)
    aux, emb2T, emb_pad = _prep(embT)
    g = _make_gather()
    idxs, quants = [], []
    for ci in range(NCHUNK):
        idx_c = _chunk_indices(xt, aux, emb2T, ci)
        idxs.append(idx_c[:BLK])
        quants.append(g(emb_pad, idx_c))
    idx = jnp.concatenate(idxs).reshape(B, S)
    q64 = jnp.concatenate(quants)[:, :DIM]
    qT = jnp.transpose(q64.reshape(B, S, DIM), (0, 2, 1))
    quantized = jnp.swapaxes(qT, 1, 2)
    return (quantized, idx)

# --- scband reference (transcript-rebuilt; emitter-appended) ---
"""Pipeline reference for scband-vector-quantizer-137438954121 (READ-ONLY COPY).

The authoritative reference and input builder live on the scoring server;
editing this copy changes nothing except your own understanding.
"""

import jax, jax.numpy as jnp
import numpy as np

NUM_EMBEDDINGS = 1024
EMBEDDING_DIM = 64

def setup_inputs(seed: int = 0) -> dict:
    key = jax.random.key(seed)
    k1, k2 = jax.random.split(key)
    inputs = jax.random.normal(k1, (16, 576, 64), dtype=jnp.float32)
    # embedding weight initialized uniform(-1/K, 1/K) as in the torch module
    emb_weight = jax.random.uniform(k2, (NUM_EMBEDDINGS, EMBEDDING_DIM), dtype=jnp.float32,
                                    minval=-1.0 / NUM_EMBEDDINGS, maxval=1.0 / NUM_EMBEDDINGS)
    return {"inputs": inputs, "emb_weight": emb_weight}

def _embed(encoding_indices, emb_weight):
    # torch: one-hot scatter then matmul with embedding weight
    encodings = jax.nn.one_hot(encoding_indices, NUM_EMBEDDINGS, dtype=emb_weight.dtype)
    quantized = jnp.matmul(encodings, emb_weight)
    return quantized

def reference(inputs, emb_weight):
    b, s, c = inputs.shape
    flat_input = inputs.reshape(b * s, c)
    distances = (jnp.sum(flat_input ** 2, axis=1, keepdims=True)
                 + jnp.sum(emb_weight ** 2, axis=1)
                 - 2.0 * jnp.matmul(flat_input, emb_weight.T))
    encoding_indices = jnp.argmin(distances, axis=1)
    quantized = _embed(encoding_indices, emb_weight)
    quantized = quantized.reshape(b, s, c)
    # straight-through estimator
    quantized = inputs + jax.lax.stop_gradient(quantized - inputs)
    encoding_indices = encoding_indices.reshape(b, s)
    return (quantized, encoding_indices)

if __name__ == "__main__":
    import jax
    _d = setup_inputs()
    print(jax.jit(kernel)(*tuple(_d.values())))

</pallas_src>

<mosaic_0001>
#map = affine_map<(d0, d1) -> (0, 0)>
#map1 = affine_map<(d0, d1) -> (0)>
module attributes {stable_mosaic.version = 14 : i64} {
  func.func @_gather_rows(%arg0: i32, %arg1: i32, %arg2: memref<1024x128xf32, #tpu.memory_space<hbm>>, %arg3: memref<4096xi32, #tpu.memory_space<hbm>>, %arg4: memref<2304x128xf32, #tpu.memory_space<hbm>>, %arg5: memref<72xi32, #tpu.memory_space<vmem>>, %arg6: memref<72x128xf32, #tpu.memory_space<vmem>>, %arg7: memref<!tpu.dma_semaphore, #tpu.memory_space<semaphore_mem>>) attributes {dimension_semantics = [#tpu.dimension_semantics<core_parallel>, #tpu.dimension_semantics<subcore_parallel>], iteration_bounds = array<i64: 2, 16>, scalar_prefetch = 0 : i64, scratch_operands = 3 : i64, tpu.core_type = #tpu.core_type<sc_vector_subcore>, window_params = [{transform_indices = #map}, {transform_indices = #map1}, {transform_indices = #map}]} {
    %mul3A = arith.constant 2 : i32
    %mul3A_0 = arith.muli %arg1, %mul3A : i32
    %add3A = arith.addi %mul3A_0, %arg0 : i32
    %mul3A_1 = arith.constant 72 : i32
    %mul3A_2 = arith.muli %add3A, %mul3A_1 : i32
    "tpu.region"() ({
      %run_scoped3A = tpu.sem_alloc : memref<!tpu.dma_semaphore, #tpu.memory_space<semaphore_mem>>
      %dma_start3A_7 = tpu.memref_slice %arg3[%mul3A_2] : memref<4096xi32, #tpu.memory_space<hbm>> -> memref<72xi32, #tpu.memory_space<hbm>>
      %dma_start3A_8 = tpu.memref_slice %arg3[%mul3A_2] : memref<4096xi32, #tpu.memory_space<hbm>> -> memref<72xi32, #tpu.memory_space<hbm>>
      tpu.enqueue_dma source(%dma_start3A_8 : memref<72xi32, #tpu.memory_space<hbm>>) target(%arg5 : memref<72xi32, #tpu.memory_space<vmem>>) target_semaphore(%run_scoped3A : memref<!tpu.dma_semaphore, #tpu.memory_space<semaphore_mem>>)
      %dma_wait3A_9 = tpu.memref_slice %arg3[%mul3A_2] : memref<4096xi32, #tpu.memory_space<hbm>> -> memref<72xi32, #tpu.memory_space<hbm>>
      %dma_wait3A_10 = tpu.memref_slice %arg3[%mul3A_2] : memref<4096xi32, #tpu.memory_space<hbm>> -> memref<72xi32, #tpu.memory_space<hbm>>
      tpu.wait_dma2 semaphore(%run_scoped3A : memref<!tpu.dma_semaphore, #tpu.memory_space<semaphore_mem>>) src(%dma_wait3A_10 : memref<72xi32, #tpu.memory_space<hbm>>) dst(%arg5 : memref<72xi32, #tpu.memory_space<vmem>>)
      tpu.yield
    }) : () -> ()
    %dma_start3A = arith.constant 0 : i32
    %dma_start3A_3 = arith.constant 0 : i32
    %dma_start3A_4 = tpu.memref_slice %arg2[%dma_start3A, %dma_start3A_3] : memref<1024x128xf32, #tpu.memory_space<hbm>> -> memref<1024x128xf32, #tpu.memory_space<hbm>>
    tpu.enqueue_indirect_dma source(%dma_start3A_4 : memref<1024x128xf32, #tpu.memory_space<hbm>>) target(%arg6 : memref<72x128xf32, #tpu.memory_space<vmem>>) offsets(%arg5 : memref<72xi32, #tpu.memory_space<vmem>>) semaphore(%arg7 : memref<!tpu.dma_semaphore, #tpu.memory_space<semaphore_mem>>)
    %dma_wait3A = arith.constant 0 : i32
    %dma_wait3A_5 = arith.constant 0 : i32
    %dma_wait3A_6 = tpu.memref_slice %arg2[%dma_wait3A, %dma_wait3A_5] : memref<1024x128xf32, #tpu.memory_space<hbm>> -> memref<1024x128xf32, #tpu.memory_space<hbm>>
    tpu.wait_indirect_dma semaphore(%arg7 : memref<!tpu.dma_semaphore, #tpu.memory_space<semaphore_mem>>) src(%dma_wait3A_6 : memref<1024x128xf32, #tpu.memory_space<hbm>>) dst(%arg6 : memref<72x128xf32, #tpu.memory_space<vmem>>)
    "tpu.region"() ({
      %run_scoped3A = tpu.sem_alloc : memref<!tpu.dma_semaphore, #tpu.memory_space<semaphore_mem>>
      %dma_start3A_7 = arith.constant 0 : i32
      %dma_start3A_8 = tpu.memref_slice %arg4[%mul3A_2, %dma_start3A_7] : memref<2304x128xf32, #tpu.memory_space<hbm>> -> memref<72x128xf32, #tpu.memory_space<hbm>>
      %dma_start3A_9 = arith.constant 0 : i32
      %dma_start3A_10 = tpu.memref_slice %arg4[%mul3A_2, %dma_start3A_9] : memref<2304x128xf32, #tpu.memory_space<hbm>> -> memref<72x128xf32, #tpu.memory_space<hbm>>
      tpu.enqueue_dma source(%arg6 : memref<72x128xf32, #tpu.memory_space<vmem>>) target(%dma_start3A_10 : memref<72x128xf32, #tpu.memory_space<hbm>>) target_semaphore(%run_scoped3A : memref<!tpu.dma_semaphore, #tpu.memory_space<semaphore_mem>>)
      %dma_wait3A_11 = arith.constant 0 : i32
      %dma_wait3A_12 = tpu.memref_slice %arg4[%mul3A_2, %dma_wait3A_11] : memref<2304x128xf32, #tpu.memory_space<hbm>> -> memref<72x128xf32, #tpu.memory_space<hbm>>
      %dma_wait3A_13 = arith.constant 0 : i32
      %dma_wait3A_14 = tpu.memref_slice %arg4[%mul3A_2, %dma_wait3A_13] : memref<2304x128xf32, #tpu.memory_space<hbm>> -> memref<72x128xf32, #tpu.memory_space<hbm>>
      tpu.wait_dma2 semaphore(%run_scoped3A : memref<!tpu.dma_semaphore, #tpu.memory_space<semaphore_mem>>) src(%arg6 : memref<72x128xf32, #tpu.memory_space<vmem>>) dst(%dma_wait3A_14 : memref<72x128xf32, #tpu.memory_space<hbm>>)
      tpu.yield
    }) : () -> ()
    return
  }
}

#map = affine_map<(d0, d1) -> (0, 0)>
#map1 = affine_map<(d0, d1) -> (0)>
module attributes {stable_mosaic.version = 14 : i64} {
  func.func @_gather_rows(%arg0: i32, %arg1: i32, %arg2: memref<1024x128xf32, #tpu.memory_space<hbm>>, %arg3: memref<4096xi32, #tpu.memory_space<hbm>>, %arg4: memref<2304x128xf32, #tpu.memory_space<hbm>>, %arg5: memref<72xi32, #tpu.memory_space<vmem>>, %arg6: memref<72x128xf32, #tpu.memory_space<vmem>>, %arg7: memref<!tpu.dma_semaphore, #tpu.memory_space<semaphore_mem>>) attributes {dimension_semantics = [#tpu.dimension_semantics<core_parallel>, #tpu.dimension_semantics<subcore_parallel>], iteration_bounds = array<i64: 2, 16>, scalar_prefetch = 0 : i64, scratch_operands = 3 : i64, tpu.core_type = #tpu.core_type<sc_vector_subcore>, window_params = [{transform_indices = #map}, {transform_indices = #map1}, {transform_indices = #map}]} {
    %mul3A = arith.constant 2 : i32
    %mul3A_0 = arith.muli %arg1, %mul3A : i32
    %add3A = arith.addi %mul3A_0, %arg0 : i32
    %mul3A_1 = arith.constant 72 : i32
    %mul3A_2 = arith.muli %add3A, %mul3A_1 : i32
    "tpu.region"() ({
      %run_scoped3A = tpu.sem_alloc : memref<!tpu.dma_semaphore, #tpu.memory_space<semaphore_mem>>
      %dma_start3A_7 = tpu.memref_slice %arg3[%mul3A_2] : memref<4096xi32, #tpu.memory_space<hbm>> -> memref<72xi32, #tpu.memory_space<hbm>>
      %dma_start3A_8 = tpu.memref_slice %arg3[%mul3A_2] : memref<4096xi32, #tpu.memory_space<hbm>> -> memref<72xi32, #tpu.memory_space<hbm>>
      tpu.enqueue_dma source(%dma_start3A_8 : memref<72xi32, #tpu.memory_space<hbm>>) target(%arg5 : memref<72xi32, #tpu.memory_space<vmem>>) target_semaphore(%run_scoped3A : memref<!tpu.dma_semaphore, #tpu.memory_space<semaphore_mem>>)
      %dma_wait3A_9 = tpu.memref_slice %arg3[%mul3A_2] : memref<4096xi32, #tpu.memory_space<hbm>> -> memref<72xi32, #tpu.memory_space<hbm>>
      %dma_wait3A_10 = tpu.memref_slice %arg3[%mul3A_2] : memref<4096xi32, #tpu.memory_space<hbm>> -> memref<72xi32, #tpu.memory_space<hbm>>
      tpu.wait_dma2 semaphore(%run_scoped3A : memref<!tpu.dma_semaphore, #tpu.memory_space<semaphore_mem>>) src(%dma_wait3A_10 : memref<72xi32, #tpu.memory_space<hbm>>) dst(%arg5 : memref<72xi32, #tpu.memory_space<vmem>>)
      tpu.yield
    }) : () -> ()
    %dma_start3A = arith.constant 0 : i32
    %dma_start3A_3 = arith.constant 0 : i32
    %dma_start3A_4 = tpu.memref_slice %arg2[%dma_start3A, %dma_start3A_3] : memref<1024x128xf32, #tpu.memory_space<hbm>> -> memref<1024x128xf32, #tpu.memory_space<hbm>>
    tpu.enqueue_indirect_dma source(%dma_start3A_4 : memref<1024x128xf32, #tpu.memory_space<hbm>>) target(%arg6 : memref<72x128xf32, #tpu.memory_space<vmem>>) offsets(%arg5 : memref<72xi32, #tpu.memory_space<vmem>>) semaphore(%arg7 : memref<!tpu.dma_semaphore, #tpu.memory_space<semaphore_mem>>)
    %dma_wait3A = arith.constant 0 : i32
    %dma_wait3A_5 = arith.constant 0 : i32
    %dma_wait3A_6 = tpu.memref_slice %arg2[%dma_wait3A, %dma_wait3A_5] : memref<1024x128xf32, #tpu.memory_space<hbm>> -> memref<1024x128xf32, #tpu.memory_space<hbm>>
    tpu.wait_indirect_dma semaphore(%arg7 : memref<!tpu.dma_semaphore, #tpu.memory_space<semaphore_mem>>) src(%dma_wait3A_6 : memref<1024x128xf32, #tpu.memory_space<hbm>>) dst(%arg6 : memref<72x128xf32, #tpu.memory_space<vmem>>)
    "tpu.region"() ({
      %run_scoped3A = tpu.sem_alloc : memref<!tpu.dma_semaphore, #tpu.memory_space<semaphore_mem>>
      %dma_start3A_7 = arith.constant 0 : i32
      %dma_start3A_8 = tpu.memref_slice %arg4[%mul3A_2, %dma_start3A_7] : memref<2304x128xf32, #tpu.memory_space<hbm>> -> memref<72x128xf32, #tpu.memory_space<hbm>>
      %dma_start3A_9 = arith.constant 0 : i32
      %dma_start3A_10 = tpu.memref_slice %arg4[%mul3A_2, %dma_start3A_9] : memref<2304x128xf32, #tpu.memory_space<hbm>> -> memref<72x128xf32, #tpu.memory_space<hbm>>
      tpu.enqueue_dma source(%arg6 : memref<72x128xf32, #tpu.memory_space<vmem>>) target(%dma_start3A_10 : memref<72x128xf32, #tpu.memory_space<hbm>>) target_semaphore(%run_scoped3A : memref<!tpu.dma_semaphore, #tpu.memory_space<semaphore_mem>>)
      %dma_wait3A_11 = arith.constant 0 : i32
      %dma_wait3A_12 = tpu.memref_slice %arg4[%mul3A_2, %dma_wait3A_11] : memref<2304x128xf32, #tpu.memory_space<hbm>> -> memref<72x128xf32, #tpu.memory_space<hbm>>
      %dma_wait3A_13 = arith.constant 0 : i32
      %dma_wait3A_14 = tpu.memref_slice %arg4[%mul3A_2, %dma_wait3A_13] : memref<2304x128xf32, #tpu.memory_space<hbm>> -> memref<72x128xf32, #tpu.memory_space<hbm>>
      tpu.wait_dma2 semaphore(%run_scoped3A : memref<!tpu.dma_semaphore, #tpu.memory_space<semaphore_mem>>) src(%arg6 : memref<72x128xf32, #tpu.memory_space<vmem>>) dst(%dma_wait3A_14 : memref<72x128xf32, #tpu.memory_space<hbm>>)
      tpu.yield
    }) : () -> ()
    return
  }
}

#map = affine_map<(d0, d1) -> (0, 0)>
#map1 = affine_map<(d0, d1) -> (0)>
module attributes {stable_mosaic.version = 14 : i64} {
  func.func @_gather_rows(%arg0: i32, %arg1: i32, %arg2: memref<1024x128xf32, #tpu.memory_space<hbm>>, %arg3: memref<4096xi32, #tpu.memory_space<hbm>>, %arg4: memref<2304x128xf32, #tpu.memory_space<hbm>>, %arg5: memref<72xi32, #tpu.memory_space<vmem>>, %arg6: memref<72x128xf32, #tpu.memory_space<vmem>>, %arg7: memref<!tpu.dma_semaphore, #tpu.memory_space<semaphore_mem>>) attributes {dimension_semantics = [#tpu.dimension_semantics<core_parallel>, #tpu.dimension_semantics<subcore_parallel>], iteration_bounds = array<i64: 2, 16>, scalar_prefetch = 0 : i64, scratch_operands = 3 : i64, tpu.core_type = #tpu.core_type<sc_vector_subcore>, window_params = [{transform_indices = #map}, {transform_indices = #map1}, {transform_indices = #map}]} {
    %mul3A = arith.constant 2 : i32
    %mul3A_0 = arith.muli %arg1, %mul3A : i32
    %add3A = arith.addi %mul3A_0, %arg0 : i32
    %mul3A_1 = arith.constant 72 : i32
    %mul3A_2 = arith.muli %add3A, %mul3A_1 : i32
    "tpu.region"() ({
      %run_scoped3A = tpu.sem_alloc : memref<!tpu.dma_semaphore, #tpu.memory_space<semaphore_mem>>
      %dma_start3A_7 = tpu.memref_slice %arg3[%mul3A_2] : memref<4096xi32, #tpu.memory_space<hbm>> -> memref<72xi32, #tpu.memory_space<hbm>>
      %dma_start3A_8 = tpu.memref_slice %arg3[%mul3A_2] : memref<4096xi32, #tpu.memory_space<hbm>> -> memref<72xi32, #tpu.memory_space<hbm>>
      tpu.enqueue_dma source(%dma_start3A_8 : memref<72xi32, #tpu.memory_space<hbm>>) target(%arg5 : memref<72xi32, #tpu.memory_space<vmem>>) target_semaphore(%run_scoped3A : memref<!tpu.dma_semaphore, #tpu.memory_space<semaphore_mem>>)
      %dma_wait3A_9 = tpu.memref_slice %arg3[%mul3A_2] : memref<4096xi32, #tpu.memory_space<hbm>> -> memref<72xi32, #tpu.memory_space<hbm>>
      %dma_wait3A_10 = tpu.memref_slice %arg3[%mul3A_2] : memref<4096xi32, #tpu.memory_space<hbm>> -> memref<72xi32, #tpu.memory_space<hbm>>
      tpu.wait_dma2 semaphore(%run_scoped3A : memref<!tpu.dma_semaphore, #tpu.memory_space<semaphore_mem>>) src(%dma_wait3A_10 : memref<72xi32, #tpu.memory_space<hbm>>) dst(%arg5 : memref<72xi32, #tpu.memory_space<vmem>>)
      tpu.yield
    }) : () -> ()
    %dma_start3A = arith.constant 0 : i32
    %dma_start3A_3 = arith.constant 0 : i32
    %dma_start3A_4 = tpu.memref_slice %arg2[%dma_start3A, %dma_start3A_3] : memref<1024x128xf32, #tpu.memory_space<hbm>> -> memref<1024x128xf32, #tpu.memory_space<hbm>>
    tpu.enqueue_indirect_dma source(%dma_start3A_4 : memref<1024x128xf32, #tpu.memory_space<hbm>>) target(%arg6 : memref<72x128xf32, #tpu.memory_space<vmem>>) offsets(%arg5 : memref<72xi32, #tpu.memory_space<vmem>>) semaphore(%arg7 : memref<!tpu.dma_semaphore, #tpu.memory_space<semaphore_mem>>)
    %dma_wait3A = arith.constant 0 : i32
    %dma_wait3A_5 = arith.constant 0 : i32
    %dma_wait3A_6 = tpu.memref_slice %arg2[%dma_wait3A, %dma_wait3A_5] : memref<1024x128xf32, #tpu.memory_space<hbm>> -> memref<1024x128xf32, #tpu.memory_space<hbm>>
    tpu.wait_indirect_dma semaphore(%arg7 : memref<!tpu.dma_semaphore, #tpu.memory_space<semaphore_mem>>) src(%dma_wait3A_6 : memref<1024x128xf32, #tpu.memory_space<hbm>>) dst(%arg6 : memref<72x128xf32, #tpu.memory_space<vmem>>)
    "tpu.region"() ({
      %run_scoped3A = tpu.sem_alloc : memref<!tpu.dma_semaphore, #tpu.memory_space<semaphore_mem>>
      %dma_start3A_7 = arith.constant 0 : i32
      %dma_start3A_8 = tpu.memref_slice %arg4[%mul3A_2, %dma_start3A_7] : memref<2304x128xf32, #tpu.memory_space<hbm>> -> memref<72x128xf32, #tpu.memory_space<hbm>>
      %dma_start3A_9 = arith.constant 0 : i32
      %dma_start3A_10 = tpu.memref_slice %arg4[%mul3A_2, %dma_start3A_9] : memref<2304x128xf32, #tpu.memory_space<hbm>> -> memref<72x128xf32, #tpu.memory_space<hbm>>
      tpu.enqueue_dma source(%arg6 : memref<72x128xf32, #tpu.memory_space<vmem>>) target(%dma_start3A_10 : memref<72x128xf32, #tpu.memory_space<hbm>>) target_semaphore(%run_scoped3A : memref<!tpu.dma_semaphore, #tpu.memory_space<semaphore_mem>>)
      %dma_wait3A_11 = arith.constant 0 : i32
      %dma_wait3A_12 = tpu.memref_slice %arg4[%mul3A_2, %dma_wait3A_11] : memref<2304x128xf32, #tpu.memory_space<hbm>> -> memref<72x128xf32, #tpu.memory_space<hbm>>
      %dma_wait3A_13 = arith.constant 0 : i32
      %dma_wait3A_14 = tpu.memref_slice %arg4[%mul3A_2, %dma_wait3A_13] : memref<2304x128xf32, #tpu.memory_space<hbm>> -> memref<72x128xf32, #tpu.memory_space<hbm>>
      tpu.wait_dma2 semaphore(%run_scoped3A : memref<!tpu.dma_semaphore, #tpu.memory_space<semaphore_mem>>) src(%arg6 : memref<72x128xf32, #tpu.memory_space<vmem>>) dst(%dma_wait3A_14 : memref<72x128xf32, #tpu.memory_space<hbm>>)
      tpu.yield
    }) : () -> ()
    return
  }
}

#map = affine_map<(d0, d1) -> (0, 0)>
#map1 = affine_map<(d0, d1) -> (0)>
module attributes {stable_mosaic.version = 14 : i64} {
  func.func @_gather_rows(%arg0: i32, %arg1: i32, %arg2: memref<1024x128xf32, #tpu.memory_space<hbm>>, %arg3: memref<4096xi32, #tpu.memory_space<hbm>>, %arg4: memref<2304x128xf32, #tpu.memory_space<hbm>>, %arg5: memref<72xi32, #tpu.memory_space<vmem>>, %arg6: memref<72x128xf32, #tpu.memory_space<vmem>>, %arg7: memref<!tpu.dma_semaphore, #tpu.memory_space<semaphore_mem>>) attributes {dimension_semantics = [#tpu.dimension_semantics<core_parallel>, #tpu.dimension_semantics<subcore_parallel>], iteration_bounds = array<i64: 2, 16>, scalar_prefetch = 0 : i64, scratch_operands = 3 : i64, tpu.core_type = #tpu.core_type<sc_vector_subcore>, window_params = [{transform_indices = #map}, {transform_indices = #map1}, {transform_indices = #map}]} {
    %mul3A = arith.constant 2 : i32
    %mul3A_0 = arith.muli %arg1, %mul3A : i32
    %add3A = arith.addi %mul3A_0, %arg0 : i32
    %mul3A_1 = arith.constant 72 : i32
    %mul3A_2 = arith.muli %add3A, %mul3A_1 : i32
    "tpu.region"() ({
      %run_scoped3A = tpu.sem_alloc : memref<!tpu.dma_semaphore, #tpu.memory_space<semaphore_mem>>
      %dma_start3A_7 = tpu.memref_slice %arg3[%mul3A_2] : memref<4096xi32, #tpu.memory_space<hbm>> -> memref<72xi32, #tpu.memory_space<hbm>>
      %dma_start3A_8 = tpu.memref_slice %arg3[%mul3A_2] : memref<4096xi32, #tpu.memory_space<hbm>> -> memref<72xi32, #tpu.memory_space<hbm>>
      tpu.enqueue_dma source(%dma_start3A_8 : memref<72xi32, #tpu.memory_space<hbm>>) target(%arg5 : memref<72xi32, #tpu.memory_space<vmem>>) target_semaphore(%run_scoped3A : memref<!tpu.dma_semaphore, #tpu.memory_space<semaphore_mem>>)
      %dma_wait3A_9 = tpu.memref_slice %arg3[%mul3A_2] : memref<4096xi32, #tpu.memory_space<hbm>> -> memref<72xi32, #tpu.memory_space<hbm>>
      %dma_wait3A_10 = tpu.memref_slice %arg3[%mul3A_2] : memref<4096xi32, #tpu.memory_space<hbm>> -> memref<72xi32, #tpu.memory_space<hbm>>
      tpu.wait_dma2 semaphore(%run_scoped3A : memref<!tpu.dma_semaphore, #tpu.memory_space<semaphore_mem>>) src(%dma_wait3A_10 : memref<72xi32, #tpu.memory_space<hbm>>) dst(%arg5 : memref<72xi32, #tpu.memory_space<vmem>>)
      tpu.yield
    }) : () -> ()
    %dma_start3A = arith.constant 0 : i32
    %dma_start3A_3 = arith.constant 0 : i32
    %dma_start3A_4 = tpu.memref_slice %arg2[%dma_start3A, %dma_start3A_3] : memref<1024x128xf32, #tpu.memory_space<hbm>> -> memref<1024x128xf32, #tpu.memory_space<hbm>>
    tpu.enqueue_indirect_dma source(%dma_start3A_4 : memref<1024x128xf32, #tpu.memory_space<hbm>>) target(%arg6 : memref<72x128xf32, #tpu.memory_space<vmem>>) offsets(%arg5 : memref<72xi32, #tpu.memory_space<vmem>>) semaphore(%arg7 : memref<!tpu.dma_semaphore, #tpu.memory_space<semaphore_mem>>)
    %dma_wait3A = arith.constant 0 : i32
    %dma_wait3A_5 = arith.constant 0 : i32
    %dma_wait3A_6 = tpu.memref_slice %arg2[%dma_wait3A, %dma_wait3A_5] : memref<1024x128xf32, #tpu.memory_space<hbm>> -> memref<1024x128xf32, #tpu.memory_space<hbm>>
    tpu.wait_indirect_dma semaphore(%arg7 : memref<!tpu.dma_semaphore, #tpu.memory_space<semaphore_mem>>) src(%dma_wait3A_6 : memref<1024x128xf32, #tpu.memory_space<hbm>>) dst(%arg6 : memref<72x128xf32, #tpu.memory_space<vmem>>)
    "tpu.region"() ({
      %run_scoped3A = tpu.sem_alloc : memref<!tpu.dma_semaphore, #tpu.memory_space<semaphore_mem>>
      %dma_start3A_7 = arith.constant 0 : i32
      %dma_start3A_8 = tpu.memref_slice %arg4[%mul3A_2, %dma_start3A_7] : memref<2304x128xf32, #tpu.memory_space<hbm>> -> memref<72x128xf32, #tpu.memory_space<hbm>>
      %dma_start3A_9 = arith.constant 0 : i32
      %dma_start3A_10 = tpu.memref_slice %arg4[%mul3A_2, %dma_start3A_9] : memref<2304x128xf32, #tpu.memory_space<hbm>> -> memref<72x128xf32, #tpu.memory_space<hbm>>
      tpu.enqueue_dma source(%arg6 : memref<72x128xf32, #tpu.memory_space<vmem>>) target(%dma_start3A_10 : memref<72x128xf32, #tpu.memory_space<hbm>>) target_semaphore(%run_scoped3A : memref<!tpu.dma_semaphore, #tpu.memory_space<semaphore_mem>>)
      %dma_wait3A_11 = arith.constant 0 : i32
      %dma_wait3A_12 = tpu.memref_slice %arg4[%mul3A_2, %dma_wait3A_11] : memref<2304x128xf32, #tpu.memory_space<hbm>> -> memref<72x128xf32, #tpu.memory_space<hbm>>
      %dma_wait3A_13 = arith.constant 0 : i32
      %dma_wait3A_14 = tpu.memref_slice %arg4[%mul3A_2, %dma_wait3A_13] : memref<2304x128xf32, #tpu.memory_space<hbm>> -> memref<72x128xf32, #tpu.memory_space<hbm>>
      tpu.wait_dma2 semaphore(%run_scoped3A : memref<!tpu.dma_semaphore, #tpu.memory_space<semaphore_mem>>) src(%arg6 : memref<72x128xf32, #tpu.memory_space<vmem>>) dst(%dma_wait3A_14 : memref<72x128xf32, #tpu.memory_space<hbm>>)
      tpu.yield
    }) : () -> ()
    return
  }
}

module attributes {stable_mosaic.version = 14 : i64} {
  func.func @_argmin_body(%arg0: i32, %arg1: memref<4x64x576xf32, #tpu.memory_space<vmem>>, %arg2: memref<1024x128xf32, #tpu.memory_space<vmem>>, %arg3: memref<64x1024xf32, #tpu.memory_space<vmem>>, %arg4: memref<4096xi32, #tpu.memory_space<vmem>>) attributes {dimension_semantics = [#tpu.dimension_semantics<arbitrary>], iteration_bounds = array<i64: 1>, scalar_prefetch = 0 : i64, scratch_operands = 0 : i64, tpu.core_type = #tpu.core_type<tc>, window_params = [{transform_indices = @transform_0, window_bounds = array<i64: 4, 64, 576>}, {pipeline_mode = #tpu.pipeline_mode<synchronous>, transform_indices = @transform_1, window_bounds = array<i64: 1024, 128>}, {pipeline_mode = #tpu.pipeline_mode<synchronous>, transform_indices = @transform_2, window_bounds = array<i64: 64, 1024>}, {pipeline_mode = #tpu.pipeline_mode<synchronous>, transform_indices = @transform_3, window_bounds = array<i64: 4096>}]} {
    %get3A = arith.constant 0 : index
    %get3A_0 = arith.constant 0 : index
    %get3A_1 = vector.load %arg2[%get3A, %get3A_0] : memref<1024x128xf32, #tpu.memory_space<vmem>>, vector<1024x1xf32>
    %get3A_2 = arith.constant 0 : index
    %get3A_3 = arith.constant 1 : index
    %get3A_4 = vector.load %arg2[%get3A_2, %get3A_3] : memref<1024x128xf32, #tpu.memory_space<vmem>>, vector<1024x1xf32>
    %get3A_5 = arith.constant 0 : index
    %get3A_6 = arith.constant 0 : index
    %get3A_7 = arith.constant 0 : index
    %get3A_8 = vector.load %arg1[%get3A_5, %get3A_6, %get3A_7] : memref<4x64x576xf32, #tpu.memory_space<vmem>>, vector<1x64x576xf32>
    %get3A_9 = vector.shape_cast %get3A_8 : vector<1x64x576xf32> to vector<64x576xf32>
    %get3A_10 = arith.constant 1 : index
    %get3A_11 = arith.constant 0 : index
    %get3A_12 = arith.constant 0 : index
    %get3A_13 = vector.load %arg1[%get3A_10, %get3A_11, %get3A_12] : memref<4x64x576xf32, #tpu.memory_space<vmem>>, vector<1x64x576xf32>
    %get3A_14 = vector.shape_cast %get3A_13 : vector<1x64x576xf32> to vector<64x576xf32>
    %get3A_15 = arith.constant 2 : index
    %get3A_16 = arith.constant 0 : index
    %get3A_17 = arith.constant 0 : index
    %get3A_18 = vector.load %arg1[%get3A_15, %get3A_16, %get3A_17] : memref<4x64x576xf32, #tpu.memory_space<vmem>>, vector<1x64x576xf32>
    %get3A_19 = vector.shape_cast %get3A_18 : vector<1x64x576xf32> to vector<64x576xf32>
    %get3A_20 = arith.constant 3 : index
    %get3A_21 = arith.constant 0 : index
    %get3A_22 = arith.constant 0 : index
    %get3A_23 = vector.load %arg1[%get3A_20, %get3A_21, %get3A_22] : memref<4x64x576xf32, #tpu.memory_space<vmem>>, vector<1x64x576xf32>
    %get3A_24 = vector.shape_cast %get3A_23 : vector<1x64x576xf32> to vector<64x576xf32>
    %concatenate3A = tpu.concatenate %get3A_9, %get3A_14, %get3A_19, %get3A_24 in 1 : vector<64x576xf32>, vector<64x576xf32>, vector<64x576xf32>, vector<64x576xf32> -> vector<64x2304xf32>
    %mul3A = arith.mulf %concatenate3A, %concatenate3A : vector<64x2304xf32>
    %reduce_sum3A = arith.constant dense<0.000000e+00> : vector<2304xf32>
    %reduce_sum3A_25 = vector.multi_reduction <add>, %mul3A, %reduce_sum3A [0] : vector<64x2304xf32> to vector<2304xf32>
    %broadcast_in_dim3A = vector.shape_cast %reduce_sum3A_25 : vector<2304xf32> to vector<1x2304xf32>
    %get3A_26 = arith.constant 0 : index
    %get3A_27 = arith.constant 0 : index
    %get3A_28 = vector.load %arg3[%get3A_26, %get3A_27] : memref<64x1024xf32, #tpu.memory_space<vmem>>, vector<64x1024xf32>
    %dot_general3A = arith.constant dense<0.000000e+00> : vector<1024x2304xf32>
    %dot_general3A_29 = tpu.matmul %get3A_28, %concatenate3A, %dot_general3A {dimension_numbers = #tpu.dot_dimension_numbers<[0], [0], [1], [1], [0, 1, 1, 1], [], []>, transpose_lhs_hint = false} : vector<64x1024xf32>, vector<64x2304xf32>, vector<1024x2304xf32> -> vector<1024x2304xf32>
    %add3A = vector.broadcast %broadcast_in_dim3A : vector<1x2304xf32> to vector<1024x2304xf32>
    %add3A_30 = vector.broadcast %get3A_1 : vector<1024x1xf32> to vector<1024x2304xf32>
    %add3A_31 = arith.addf %add3A, %add3A_30 : vector<1024x2304xf32>
    %add3A_32 = arith.addf %add3A_31, %dot_general3A_29 : vector<1024x2304xf32>
    %reduce_min3A = arith.constant dense<0x7F800000> : vector<2304xf32>
    %reduce_min3A_33 = vector.multi_reduction <minimumf>, %add3A_32, %reduce_min3A [0] : vector<1024x2304xf32> to vector<2304xf32>
    %broadcast_in_dim3A_34 = vector.shape_cast %reduce_min3A_33 : vector<2304xf32> to vector<1x2304xf32>
    %eq3A = vector.broadcast %broadcast_in_dim3A_34 : vector<1x2304xf32> to vector<1024x2304xf32>
    %eq3A_35 = arith.cmpf oeq, %add3A_32, %eq3A : vector<1024x2304xf32>
    %jit3A = arith.constant 1.024000e+03 : f32
    %broadcast_in_dim3A_36 = vector.shape_cast %get3A_4 : vector<1024x1xf32> to vector<1024x1xf32>
    %broadcast_in_dim3A_37 = vector.broadcast %broadcast_in_dim3A_36 : vector<1024x1xf32> to vector<1024x2304xf32>
    %broadcast_in_dim3A_38 = vector.broadcast %jit3A : f32 to vector<1024x2304xf32>
    %select_n3A = arith.select %eq3A_35, %broadcast_in_dim3A_37, %broadcast_in_dim3A_38 : vector<1024x2304xi1>, vector<1024x2304xf32>
    %reduce_min3A_39 = arith.constant dense<0x7F800000> : vector<2304xf32>
    %reduce_min3A_40 = vector.multi_reduction <minimumf>, %select_n3A, %reduce_min3A_39 [0] : vector<1024x2304xf32> to vector<2304xf32>
    %convert_element_type3A = arith.fptosi %reduce_min3A_40 : vector<2304xf32> to vector<2304xi32>
    %swap3A = arith.constant 0 : index
    %swap3A_41 = vector.load %arg4[%swap3A] : memref<4096xi32, #tpu.memory_space<vmem>>, vector<2304xi32>
    tpu.vector_store %arg4[%swap3A], %convert_element_type3A {strides = array<i32>} : memref<4096xi32, #tpu.memory_space<vmem>>, vector<2304xi32>,
    return
  }
  func.func @transform_0(%arg0: i32) -> (i32, i32, i32) {
    %c2_i32 = arith.constant 2 : i32
    %c0_i32 = arith.constant 0 : i32
    %c0_i32_0 = arith.constant 0 : i32
    %c0_i32_1 = arith.constant 0 : i32
    return %c2_i32, %c0_i32, %c0_i32_0 : i32, i32, i32
  }
  func.func @transform_1(%arg0: i32) -> (i32, i32) {
    %c0_i32 = arith.constant 0 : i32
    %c0_i32_0 = arith.constant 0 : i32
    %c0_i32_1 = arith.constant 0 : i32
    return %c0_i32, %c0_i32_0 : i32, i32
  }
  func.func @transform_2(%arg0: i32) -> (i32, i32) {
    %c0_i32 = arith.constant 0 : i32
    %c0_i32_0 = arith.constant 0 : i32
    %c0_i32_1 = arith.constant 0 : i32
    return %c0_i32, %c0_i32_0 : i32, i32
  }
  func.func @transform_3(%arg0: i32) -> i32 {
    %c0_i32 = arith.constant 0 : i32
    %c0_i32_0 = arith.constant 0 : i32
    return %c0_i32 : i32
  }
}

module attributes {stable_mosaic.version = 14 : i64} {
  func.func @_prep_body(%arg0: memref<64x1024xf32, #tpu.memory_space<vmem>>, %arg1: memref<1024x128xf32, #tpu.memory_space<vmem>>, %arg2: memref<64x1024xf32, #tpu.memory_space<vmem>>, %arg3: memref<1024x128xf32, #tpu.memory_space<vmem>>) attributes {dimension_semantics = [], scalar_prefetch = 0 : i64, scratch_operands = 0 : i64, tpu.core_type = #tpu.core_type<tc>} {
    %get3A = arith.constant 0 : index
    %get3A_0 = arith.constant 0 : index
    %get3A_1 = vector.load %arg0[%get3A, %get3A_0] : memref<64x1024xf32, #tpu.memory_space<vmem>>, vector<64x1024xf32>
    %mul3A = arith.mulf %get3A_1, %get3A_1 : vector<64x1024xf32>
    %reduce_sum3A = arith.constant dense<0.000000e+00> : vector<1024xf32>
    %reduce_sum3A_2 = vector.multi_reduction <add>, %mul3A, %reduce_sum3A [0] : vector<64x1024xf32> to vector<1024xf32>
    %broadcast_in_dim3A = vector.shape_cast %reduce_sum3A_2 : vector<1024xf32> to vector<1x1024xf32>
    %reshape3A = vector.shape_cast %broadcast_in_dim3A : vector<1x1024xf32> to vector<1024x1xf32>
    %swap3A = arith.constant 0 : index
    %swap3A_3 = arith.constant 0 : index
    %swap3A_4 = vector.load %arg1[%swap3A, %swap3A_3] : memref<1024x128xf32, #tpu.memory_space<vmem>>, vector<1024x1xf32>
    tpu.vector_store %arg1[%swap3A, %swap3A_3], %reshape3A {strides = array<i32>} : memref<1024x128xf32, #tpu.memory_space<vmem>>, vector<1024x1xf32>,
    %iota3A = tpu.iota {dimensions = array<i32: 0>} : vector<1024x1xi32>
    %convert_element_type3A = arith.sitofp %iota3A : vector<1024x1xi32> to vector<1024x1xf32>
    %swap3A_5 = arith.constant 0 : index
    %swap3A_6 = arith.constant 1 : index
    %swap3A_7 = vector.load %arg1[%swap3A_5, %swap3A_6] : memref<1024x128xf32, #tpu.memory_space<vmem>>, vector<1024x1xf32>
    tpu.vector_store %arg1[%swap3A_5, %swap3A_6], %convert_element_type3A {strides = array<i32>} : memref<1024x128xf32, #tpu.memory_space<vmem>>, vector<1024x1xf32>,
    %mul3A_8 = arith.constant -2.000000e+00 : f32
    %mul3A_9 = vector.broadcast %mul3A_8 : f32 to vector<64x1024xf32>
    %mul3A_10 = arith.mulf %get3A_1, %mul3A_9 : vector<64x1024xf32>
    %swap3A_11 = arith.constant 0 : index
    %swap3A_12 = arith.constant 0 : index
    %swap3A_13 = vector.load %arg2[%swap3A_11, %swap3A_12] : memref<64x1024xf32, #tpu.memory_space<vmem>>, vector<64x1024xf32>
    tpu.vector_store %arg2[%swap3A_11, %swap3A_12], %mul3A_10 {strides = array<i32>} : memref<64x1024xf32, #tpu.memory_space<vmem>>, vector<64x1024xf32>,
    %transpose3A = tpu.transpose %get3A_1, [1, 0] : vector<64x1024xf32> -> vector<1024x64xf32>
    %swap3A_14 = arith.constant 0 : index
    %swap3A_15 = arith.constant 0 : index
    %swap3A_16 = vector.load %arg3[%swap3A_14, %swap3A_15] : memref<1024x128xf32, #tpu.memory_space<vmem>>, vector<1024x64xf32>
    tpu.vector_store %arg3[%swap3A_14, %swap3A_15], %transpose3A {strides = array<i32>} : memref<1024x128xf32, #tpu.memory_space<vmem>>, vector<1024x64xf32>,
    return
  }
}

module attributes {stable_mosaic.version = 14 : i64} {
  func.func @_argmin_body(%arg0: i32, %arg1: memref<4x64x576xf32, #tpu.memory_space<vmem>>, %arg2: memref<1024x128xf32, #tpu.memory_space<vmem>>, %arg3: memref<64x1024xf32, #tpu.memory_space<vmem>>, %arg4: memref<4096xi32, #tpu.memory_space<vmem>>) attributes {dimension_semantics = [#tpu.dimension_semantics<arbitrary>], iteration_bounds = array<i64: 1>, scalar_prefetch = 0 : i64, scratch_operands = 0 : i64, tpu.core_type = #tpu.core_type<tc>, window_params = [{transform_indices = @transform_0, window_bounds = array<i64: 4, 64, 576>}, {pipeline_mode = #tpu.pipeline_mode<synchronous>, transform_indices = @transform_1, window_bounds = array<i64: 1024, 128>}, {pipeline_mode = #tpu.pipeline_mode<synchronous>, transform_indices = @transform_2, window_bounds = array<i64: 64, 1024>}, {pipeline_mode = #tpu.pipeline_mode<synchronous>, transform_indices = @transform_3, window_bounds = array<i64: 4096>}]} {
    %get3A = arith.constant 0 : index
    %get3A_0 = arith.constant 0 : index
    %get3A_1 = vector.load %arg2[%get3A, %get3A_0] : memref<1024x128xf32, #tpu.memory_space<vmem>>, vector<1024x1xf32>
    %get3A_2 = arith.constant 0 : index
    %get3A_3 = arith.constant 1 : index
    %get3A_4 = vector.load %arg2[%get3A_2, %get3A_3] : memref<1024x128xf32, #tpu.memory_space<vmem>>, vector<1024x1xf32>
    %get3A_5 = arith.constant 0 : index
    %get3A_6 = arith.constant 0 : index
    %get3A_7 = arith.constant 0 : index
    %get3A_8 = vector.load %arg1[%get3A_5, %get3A_6, %get3A_7] : memref<4x64x576xf32, #tpu.memory_space<vmem>>, vector<1x64x576xf32>
    %get3A_9 = vector.shape_cast %get3A_8 : vector<1x64x576xf32> to vector<64x576xf32>
    %get3A_10 = arith.constant 1 : index
    %get3A_11 = arith.constant 0 : index
    %get3A_12 = arith.constant 0 : index
    %get3A_13 = vector.load %arg1[%get3A_10, %get3A_11, %get3A_12] : memref<4x64x576xf32, #tpu.memory_space<vmem>>, vector<1x64x576xf32>
    %get3A_14 = vector.shape_cast %get3A_13 : vector<1x64x576xf32> to vector<64x576xf32>
    %get3A_15 = arith.constant 2 : index
    %get3A_16 = arith.constant 0 : index
    %get3A_17 = arith.constant 0 : index
    %get3A_18 = vector.load %arg1[%get3A_15, %get3A_16, %get3A_17] : memref<4x64x576xf32, #tpu.memory_space<vmem>>, vector<1x64x576xf32>
    %get3A_19 = vector.shape_cast %get3A_18 : vector<1x64x576xf32> to vector<64x576xf32>
    %get3A_20 = arith.constant 3 : index
    %get3A_21 = arith.constant 0 : index
    %get3A_22 = arith.constant 0 : index
    %get3A_23 = vector.load %arg1[%get3A_20, %get3A_21, %get3A_22] : memref<4x64x576xf32, #tpu.memory_space<vmem>>, vector<1x64x576xf32>
    %get3A_24 = vector.shape_cast %get3A_23 : vector<1x64x576xf32> to vector<64x576xf32>
    %concatenate3A = tpu.concatenate %get3A_9, %get3A_14, %get3A_19, %get3A_24 in 1 : vector<64x576xf32>, vector<64x576xf32>, vector<64x576xf32>, vector<64x576xf32> -> vector<64x2304xf32>
    %mul3A = arith.mulf %concatenate3A, %concatenate3A : vector<64x2304xf32>
    %reduce_sum3A = arith.constant dense<0.000000e+00> : vector<2304xf32>
    %reduce_sum3A_25 = vector.multi_reduction <add>, %mul3A, %reduce_sum3A [0] : vector<64x2304xf32> to vector<2304xf32>
    %broadcast_in_dim3A = vector.shape_cast %reduce_sum3A_25 : vector<2304xf32> to vector<1x2304xf32>
    %get3A_26 = arith.constant 0 : index
    %get3A_27 = arith.constant 0 : index
    %get3A_28 = vector.load %arg3[%get3A_26, %get3A_27] : memref<64x1024xf32, #tpu.memory_space<vmem>>, vector<64x1024xf32>
    %dot_general3A = arith.constant dense<0.000000e+00> : vector<1024x2304xf32>
    %dot_general3A_29 = tpu.matmul %get3A_28, %concatenate3A, %dot_general3A {dimension_numbers = #tpu.dot_dimension_numbers<[0], [0], [1], [1], [0, 1, 1, 1], [], []>, transpose_lhs_hint = false} : vector<64x1024xf32>, vector<64x2304xf32>, vector<1024x2304xf32> -> vector<1024x2304xf32>
    %add3A = vector.broadcast %broadcast_in_dim3A : vector<1x2304xf32> to vector<1024x2304xf32>
    %add3A_30 = vector.broadcast %get3A_1 : vector<1024x1xf32> to vector<1024x2304xf32>
    %add3A_31 = arith.addf %add3A, %add3A_30 : vector<1024x2304xf32>
    %add3A_32 = arith.addf %add3A_31, %dot_general3A_29 : vector<1024x2304xf32>
    %reduce_min3A = arith.constant dense<0x7F800000> : vector<2304xf32>
    %reduce_min3A_33 = vector.multi_reduction <minimumf>, %add3A_32, %reduce_min3A [0] : vector<1024x2304xf32> to vector<2304xf32>
    %broadcast_in_dim3A_34 = vector.shape_cast %reduce_min3A_33 : vector<2304xf32> to vector<1x2304xf32>
    %eq3A = vector.broadcast %broadcast_in_dim3A_34 : vector<1x2304xf32> to vector<1024x2304xf32>
    %eq3A_35 = arith.cmpf oeq, %add3A_32, %eq3A : vector<1024x2304xf32>
    %jit3A = arith.constant 1.024000e+03 : f32
    %broadcast_in_dim3A_36 = vector.shape_cast %get3A_4 : vector<1024x1xf32> to vector<1024x1xf32>
    %broadcast_in_dim3A_37 = vector.broadcast %broadcast_in_dim3A_36 : vector<1024x1xf32> to vector<1024x2304xf32>
    %broadcast_in_dim3A_38 = vector.broadcast %jit3A : f32 to vector<1024x2304xf32>
    %select_n3A = arith.select %eq3A_35, %broadcast_in_dim3A_37, %broadcast_in_dim3A_38 : vector<1024x2304xi1>, vector<1024x2304xf32>
    %reduce_min3A_39 = arith.constant dense<0x7F800000> : vector<2304xf32>
    %reduce_min3A_40 = vector.multi_reduction <minimumf>, %select_n3A, %reduce_min3A_39 [0] : vector<1024x2304xf32> to vector<2304xf32>
    %convert_element_type3A = arith.fptosi %reduce_min3A_40 : vector<2304xf32> to vector<2304xi32>
    %swap3A = arith.constant 0 : index
    %swap3A_41 = vector.load %arg4[%swap3A] : memref<4096xi32, #tpu.memory_space<vmem>>, vector<2304xi32>
    tpu.vector_store %arg4[%swap3A], %convert_element_type3A {strides = array<i32>} : memref<4096xi32, #tpu.memory_space<vmem>>, vector<2304xi32>,
    return
  }
  func.func @transform_0(%arg0: i32) -> (i32, i32, i32) {
    %c0_i32 = arith.constant 0 : i32
    %c0_i32_0 = arith.constant 0 : i32
    %c0_i32_1 = arith.constant 0 : i32
    %c0_i32_2 = arith.constant 0 : i32
    return %c0_i32, %c0_i32_0, %c0_i32_1 : i32, i32, i32
  }
  func.func @transform_1(%arg0: i32) -> (i32, i32) {
    %c0_i32 = arith.constant 0 : i32
    %c0_i32_0 = arith.constant 0 : i32
    %c0_i32_1 = arith.constant 0 : i32
    return %c0_i32, %c0_i32_0 : i32, i32
  }
  func.func @transform_2(%arg0: i32) -> (i32, i32) {
    %c0_i32 = arith.constant 0 : i32
    %c0_i32_0 = arith.constant 0 : i32
    %c0_i32_1 = arith.constant 0 : i32
    return %c0_i32, %c0_i32_0 : i32, i32
  }
  func.func @transform_3(%arg0: i32) -> i32 {
    %c0_i32 = arith.constant 0 : i32
    %c0_i32_0 = arith.constant 0 : i32
    return %c0_i32 : i32
  }
}

module attributes {stable_mosaic.version = 14 : i64} {
  func.func @_argmin_body(%arg0: i32, %arg1: memref<4x64x576xf32, #tpu.memory_space<vmem>>, %arg2: memref<1024x128xf32, #tpu.memory_space<vmem>>, %arg3: memref<64x1024xf32, #tpu.memory_space<vmem>>, %arg4: memref<4096xi32, #tpu.memory_space<vmem>>) attributes {dimension_semantics = [#tpu.dimension_semantics<arbitrary>], iteration_bounds = array<i64: 1>, scalar_prefetch = 0 : i64, scratch_operands = 0 : i64, tpu.core_type = #tpu.core_type<tc>, window_params = [{transform_indices = @transform_0, window_bounds = array<i64: 4, 64, 576>}, {pipeline_mode = #tpu.pipeline_mode<synchronous>, transform_indices = @transform_1, window_bounds = array<i64: 1024, 128>}, {pipeline_mode = #tpu.pipeline_mode<synchronous>, transform_indices = @transform_2, window_bounds = array<i64: 64, 1024>}, {pipeline_mode = #tpu.pipeline_mode<synchronous>, transform_indices = @transform_3, window_bounds = array<i64: 4096>}]} {
    %get3A = arith.constant 0 : index
    %get3A_0 = arith.constant 0 : index
    %get3A_1 = vector.load %arg2[%get3A, %get3A_0] : memref<1024x128xf32, #tpu.memory_space<vmem>>, vector<1024x1xf32>
    %get3A_2 = arith.constant 0 : index
    %get3A_3 = arith.constant 1 : index
    %get3A_4 = vector.load %arg2[%get3A_2, %get3A_3] : memref<1024x128xf32, #tpu.memory_space<vmem>>, vector<1024x1xf32>
    %get3A_5 = arith.constant 0 : index
    %get3A_6 = arith.constant 0 : index
    %get3A_7 = arith.constant 0 : index
    %get3A_8 = vector.load %arg1[%get3A_5, %get3A_6, %get3A_7] : memref<4x64x576xf32, #tpu.memory_space<vmem>>, vector<1x64x576xf32>
    %get3A_9 = vector.shape_cast %get3A_8 : vector<1x64x576xf32> to vector<64x576xf32>
    %get3A_10 = arith.constant 1 : index
    %get3A_11 = arith.constant 0 : index
    %get3A_12 = arith.constant 0 : index
    %get3A_13 = vector.load %arg1[%get3A_10, %get3A_11, %get3A_12] : memref<4x64x576xf32, #tpu.memory_space<vmem>>, vector<1x64x576xf32>
    %get3A_14 = vector.shape_cast %get3A_13 : vector<1x64x576xf32> to vector<64x576xf32>
    %get3A_15 = arith.constant 2 : index
    %get3A_16 = arith.constant 0 : index
    %get3A_17 = arith.constant 0 : index
    %get3A_18 = vector.load %arg1[%get3A_15, %get3A_16, %get3A_17] : memref<4x64x576xf32, #tpu.memory_space<vmem>>, vector<1x64x576xf32>
    %get3A_19 = vector.shape_cast %get3A_18 : vector<1x64x576xf32> to vector<64x576xf32>
    %get3A_20 = arith.constant 3 : index
    %get3A_21 = arith.constant 0 : index
    %get3A_22 = arith.constant 0 : index
    %get3A_23 = vector.load %arg1[%get3A_20, %get3A_21, %get3A_22] : memref<4x64x576xf32, #tpu.memory_space<vmem>>, vector<1x64x576xf32>
    %get3A_24 = vector.shape_cast %get3A_23 : vector<1x64x576xf32> to vector<64x576xf32>
    %concatenate3A = tpu.concatenate %get3A_9, %get3A_14, %get3A_19, %get3A_24 in 1 : vector<64x576xf32>, vector<64x576xf32>, vector<64x576xf32>, vector<64x576xf32> -> vector<64x2304xf32>
    %mul3A = arith.mulf %concatenate3A, %concatenate3A : vector<64x2304xf32>
    %reduce_sum3A = arith.constant dense<0.000000e+00> : vector<2304xf32>
    %reduce_sum3A_25 = vector.multi_reduction <add>, %mul3A, %reduce_sum3A [0] : vector<64x2304xf32> to vector<2304xf32>
    %broadcast_in_dim3A = vector.shape_cast %reduce_sum3A_25 : vector<2304xf32> to vector<1x2304xf32>
    %get3A_26 = arith.constant 0 : index
    %get3A_27 = arith.constant 0 : index
    %get3A_28 = vector.load %arg3[%get3A_26, %get3A_27] : memref<64x1024xf32, #tpu.memory_space<vmem>>, vector<64x1024xf32>
    %dot_general3A = arith.constant dense<0.000000e+00> : vector<1024x2304xf32>
    %dot_general3A_29 = tpu.matmul %get3A_28, %concatenate3A, %dot_general3A {dimension_numbers = #tpu.dot_dimension_numbers<[0], [0], [1], [1], [0, 1, 1, 1], [], []>, transpose_lhs_hint = false} : vector<64x1024xf32>, vector<64x2304xf32>, vector<1024x2304xf32> -> vector<1024x2304xf32>
    %add3A = vector.broadcast %broadcast_in_dim3A : vector<1x2304xf32> to vector<1024x2304xf32>
    %add3A_30 = vector.broadcast %get3A_1 : vector<1024x1xf32> to vector<1024x2304xf32>
    %add3A_31 = arith.addf %add3A, %add3A_30 : vector<1024x2304xf32>
    %add3A_32 = arith.addf %add3A_31, %dot_general3A_29 : vector<1024x2304xf32>
    %reduce_min3A = arith.constant dense<0x7F800000> : vector<2304xf32>
    %reduce_min3A_33 = vector.multi_reduction <minimumf>, %add3A_32, %reduce_min3A [0] : vector<1024x2304xf32> to vector<2304xf32>
    %broadcast_in_dim3A_34 = vector.shape_cast %reduce_min3A_33 : vector<2304xf32> to vector<1x2304xf32>
    %eq3A = vector.broadcast %broadcast_in_dim3A_34 : vector<1x2304xf32> to vector<1024x2304xf32>
    %eq3A_35 = arith.cmpf oeq, %add3A_32, %eq3A : vector<1024x2304xf32>
    %jit3A = arith.constant 1.024000e+03 : f32
    %broadcast_in_dim3A_36 = vector.shape_cast %get3A_4 : vector<1024x1xf32> to vector<1024x1xf32>
    %broadcast_in_dim3A_37 = vector.broadcast %broadcast_in_dim3A_36 : vector<1024x1xf32> to vector<1024x2304xf32>
    %broadcast_in_dim3A_38 = vector.broadcast %jit3A : f32 to vector<1024x2304xf32>
    %select_n3A = arith.select %eq3A_35, %broadcast_in_dim3A_37, %broadcast_in_dim3A_38 : vector<1024x2304xi1>, vector<1024x2304xf32>
    %reduce_min3A_39 = arith.constant dense<0x7F800000> : vector<2304xf32>
    %reduce_min3A_40 = vector.multi_reduction <minimumf>, %select_n3A, %reduce_min3A_39 [0] : vector<1024x2304xf32> to vector<2304xf32>
    %convert_element_type3A = arith.fptosi %reduce_min3A_40 : vector<2304xf32> to vector<2304xi32>
    %swap3A = arith.constant 0 : index
    %swap3A_41 = vector.load %arg4[%swap3A] : memref<4096xi32, #tpu.memory_space<vmem>>, vector<2304xi32>
    tpu.vector_store %arg4[%swap3A], %convert_element_type3A {strides = array<i32>} : memref<4096xi32, #tpu.memory_space<vmem>>, vector<2304xi32>,
    return
  }
  func.func @transform_0(%arg0: i32) -> (i32, i32, i32) {
    %c1_i32 = arith.constant 1 : i32
    %c0_i32 = arith.constant 0 : i32
    %c0_i32_0 = arith.constant 0 : i32
    %c0_i32_1 = arith.constant 0 : i32
    return %c1_i32, %c0_i32, %c0_i32_0 : i32, i32, i32
  }
  func.func @transform_1(%arg0: i32) -> (i32, i32) {
    %c0_i32 = arith.constant 0 : i32
    %c0_i32_0 = arith.constant 0 : i32
    %c0_i32_1 = arith.constant 0 : i32
    return %c0_i32, %c0_i32_0 : i32, i32
  }
  func.func @transform_2(%arg0: i32) -> (i32, i32) {
    %c0_i32 = arith.constant 0 : i32
    %c0_i32_0 = arith.constant 0 : i32
    %c0_i32_1 = arith.constant 0 : i32
    return %c0_i32, %c0_i32_0 : i32, i32
  }
  func.func @transform_3(%arg0: i32) -> i32 {
    %c0_i32 = arith.constant 0 : i32
    %c0_i32_0 = arith.constant 0 : i32
    return %c0_i32 : i32
  }
}

module attributes {stable_mosaic.version = 14 : i64} {
  func.func @_argmin_body(%arg0: i32, %arg1: memref<4x64x576xf32, #tpu.memory_space<vmem>>, %arg2: memref<1024x128xf32, #tpu.memory_space<vmem>>, %arg3: memref<64x1024xf32, #tpu.memory_space<vmem>>, %arg4: memref<4096xi32, #tpu.memory_space<vmem>>) attributes {dimension_semantics = [#tpu.dimension_semantics<arbitrary>], iteration_bounds = array<i64: 1>, scalar_prefetch = 0 : i64, scratch_operands = 0 : i64, tpu.core_type = #tpu.core_type<tc>, window_params = [{transform_indices = @transform_0, window_bounds = array<i64: 4, 64, 576>}, {pipeline_mode = #tpu.pipeline_mode<synchronous>, transform_indices = @transform_1, window_bounds = array<i64: 1024, 128>}, {pipeline_mode = #tpu.pipeline_mode<synchronous>, transform_indices = @transform_2, window_bounds = array<i64: 64, 1024>}, {pipeline_mode = #tpu.pipeline_mode<synchronous>, transform_indices = @transform_3, window_bounds = array<i64: 4096>}]} {
    %get3A = arith.constant 0 : index
    %get3A_0 = arith.constant 0 : index
    %get3A_1 = vector.load %arg2[%get3A, %get3A_0] : memref<1024x128xf32, #tpu.memory_space<vmem>>, vector<1024x1xf32>
    %get3A_2 = arith.constant 0 : index
    %get3A_3 = arith.constant 1 : index
    %get3A_4 = vector.load %arg2[%get3A_2, %get3A_3] : memref<1024x128xf32, #tpu.memory_space<vmem>>, vector<1024x1xf32>
    %get3A_5 = arith.constant 0 : index
    %get3A_6 = arith.constant 0 : index
    %get3A_7 = arith.constant 0 : index
    %get3A_8 = vector.load %arg1[%get3A_5, %get3A_6, %get3A_7] : memref<4x64x576xf32, #tpu.memory_space<vmem>>, vector<1x64x576xf32>
    %get3A_9 = vector.shape_cast %get3A_8 : vector<1x64x576xf32> to vector<64x576xf32>
    %get3A_10 = arith.constant 1 : index
    %get3A_11 = arith.constant 0 : index
    %get3A_12 = arith.constant 0 : index
    %get3A_13 = vector.load %arg1[%get3A_10, %get3A_11, %get3A_12] : memref<4x64x576xf32, #tpu.memory_space<vmem>>, vector<1x64x576xf32>
    %get3A_14 = vector.shape_cast %get3A_13 : vector<1x64x576xf32> to vector<64x576xf32>
    %get3A_15 = arith.constant 2 : index
    %get3A_16 = arith.constant 0 : index
    %get3A_17 = arith.constant 0 : index
    %get3A_18 = vector.load %arg1[%get3A_15, %get3A_16, %get3A_17] : memref<4x64x576xf32, #tpu.memory_space<vmem>>, vector<1x64x576xf32>
    %get3A_19 = vector.shape_cast %get3A_18 : vector<1x64x576xf32> to vector<64x576xf32>
    %get3A_20 = arith.constant 3 : index
    %get3A_21 = arith.constant 0 : index
    %get3A_22 = arith.constant 0 : index
    %get3A_23 = vector.load %arg1[%get3A_20, %get3A_21, %get3A_22] : memref<4x64x576xf32, #tpu.memory_space<vmem>>, vector<1x64x576xf32>
    %get3A_24 = vector.shape_cast %get3A_23 : vector<1x64x576xf32> to vector<64x576xf32>
    %concatenate3A = tpu.concatenate %get3A_9, %get3A_14, %get3A_19, %get3A_24 in 1 : vector<64x576xf32>, vector<64x576xf32>, vector<64x576xf32>, vector<64x576xf32> -> vector<64x2304xf32>
    %mul3A = arith.mulf %concatenate3A, %concatenate3A : vector<64x2304xf32>
    %reduce_sum3A = arith.constant dense<0.000000e+00> : vector<2304xf32>
    %reduce_sum3A_25 = vector.multi_reduction <add>, %mul3A, %reduce_sum3A [0] : vector<64x2304xf32> to vector<2304xf32>
    %broadcast_in_dim3A = vector.shape_cast %reduce_sum3A_25 : vector<2304xf32> to vector<1x2304xf32>
    %get3A_26 = arith.constant 0 : index
    %get3A_27 = arith.constant 0 : index
    %get3A_28 = vector.load %arg3[%get3A_26, %get3A_27] : memref<64x1024xf32, #tpu.memory_space<vmem>>, vector<64x1024xf32>
    %dot_general3A = arith.constant dense<0.000000e+00> : vector<1024x2304xf32>
    %dot_general3A_29 = tpu.matmul %get3A_28, %concatenate3A, %dot_general3A {dimension_numbers = #tpu.dot_dimension_numbers<[0], [0], [1], [1], [0, 1, 1, 1], [], []>, transpose_lhs_hint = false} : vector<64x1024xf32>, vector<64x2304xf32>, vector<1024x2304xf32> -> vector<1024x2304xf32>
    %add3A = vector.broadcast %broadcast_in_dim3A : vector<1x2304xf32> to vector<1024x2304xf32>
    %add3A_30 = vector.broadcast %get3A_1 : vector<1024x1xf32> to vector<1024x2304xf32>
    %add3A_31 = arith.addf %add3A, %add3A_30 : vector<1024x2304xf32>
    %add3A_32 = arith.addf %add3A_31, %dot_general3A_29 : vector<1024x2304xf32>
    %reduce_min3A = arith.constant dense<0x7F800000> : vector<2304xf32>
    %reduce_min3A_33 = vector.multi_reduction <minimumf>, %add3A_32, %reduce_min3A [0] : vector<1024x2304xf32> to vector<2304xf32>
    %broadcast_in_dim3A_34 = vector.shape_cast %reduce_min3A_33 : vector<2304xf32> to vector<1x2304xf32>
    %eq3A = vector.broadcast %broadcast_in_dim3A_34 : vector<1x2304xf32> to vector<1024x2304xf32>
    %eq3A_35 = arith.cmpf oeq, %add3A_32, %eq3A : vector<1024x2304xf32>
    %jit3A = arith.constant 1.024000e+03 : f32
    %broadcast_in_dim3A_36 = vector.shape_cast %get3A_4 : vector<1024x1xf32> to vector<1024x1xf32>
    %broadcast_in_dim3A_37 = vector.broadcast %broadcast_in_dim3A_36 : vector<1024x1xf32> to vector<1024x2304xf32>
    %broadcast_in_dim3A_38 = vector.broadcast %jit3A : f32 to vector<1024x2304xf32>
    %select_n3A = arith.select %eq3A_35, %broadcast_in_dim3A_37, %broadcast_in_dim3A_38 : vector<1024x2304xi1>, vector<1024x2304xf32>
    %reduce_min3A_39 = arith.constant dense<0x7F800000> : vector<2304xf32>
    %reduce_min3A_40 = vector.multi_reduction <minimumf>, %select_n3A, %reduce_min3A_39 [0] : vector<1024x2304xf32> to vector<2304xf32>
    %convert_element_type3A = arith.fptosi %reduce_min3A_40 : vector<2304xf32> to vector<2304xi32>
    %swap3A = arith.constant 0 : index
    %swap3A_41 = vector.load %arg4[%swap3A] : memref<4096xi32, #tpu.memory_space<vmem>>, vector<2304xi32>
    tpu.vector_store %arg4[%swap3A], %convert_element_type3A {strides = array<i32>} : memref<4096xi32, #tpu.memory_space<vmem>>, vector<2304xi32>,
    return
  }
  func.func @transform_0(%arg0: i32) -> (i32, i32, i32) {
    %c3_i32 = arith.constant 3 : i32
    %c0_i32 = arith.constant 0 : i32
    %c0_i32_0 = arith.constant 0 : i32
    %c0_i32_1 = arith.constant 0 : i32
    return %c3_i32, %c0_i32, %c0_i32_0 : i32, i32, i32
  }
  func.func @transform_1(%arg0: i32) -> (i32, i32) {
    %c0_i32 = arith.constant 0 : i32
    %c0_i32_0 = arith.constant 0 : i32
    %c0_i32_1 = arith.constant 0 : i32
    return %c0_i32, %c0_i32_0 : i32, i32
  }
  func.func @transform_2(%arg0: i32) -> (i32, i32) {
    %c0_i32 = arith.constant 0 : i32
    %c0_i32_0 = arith.constant 0 : i32
    %c0_i32_1 = arith.constant 0 : i32
    return %c0_i32, %c0_i32_0 : i32, i32
  }
  func.func @transform_3(%arg0: i32) -> i32 {
    %c0_i32 = arith.constant 0 : i32
    %c0_i32_0 = arith.constant 0 : i32
    return %c0_i32 : i32
  }
}

</mosaic_0001>

<sc_bundles>
// kernel: kernel.11.cloned.1.call-start
scs
__scs_entry_jumppad:
0x0: {  	(pc) =	sbr.rel $0x88, $3  }
0x1: {  	(tag) =	ssettag $0x0;
	lr =	simm.s32 $0x1  }
0x2: {  	[smem:$0x3F9F] =	sst lr;
	_ =	strace $0xD0000000  }
0x3: {  	_ = 	snop  }
0x4: {  	_ = 	snop  }
0x5: {  	_ = 	snop  }
0x6: {  	_ = 	snop  }
0x7: {  	_ = 	snop  }
__scs_overlays_trampoline_lowered:
0x8: {  	[smem:$0x3FAE] =	sst s0  }
0x9: {  	[smem:$0x3FAF] =	sst s1  }
0xa: {  	[smem:$0x3FB0] =	sst s2  }
0xb: {  	[smem:$0x3FB1] =	sst s3  }
0xc: {  	[smem:$0x3FB2] =	sst s4  }
0xd: {  	[smem:$0x3FB3] =	sst s5  }
0xe: {  	[smem:$0x3FB4] =	sst s6  }
0xf: {  	[smem:$0x3FB5] =	sst s7  }
0x10: {  	[smem:$0x3FB6] =	sst s8  }
0x11: {  	[smem:$0x3FB7] =	sst s9;
	s0 =	simm.s32 @!p0 $0x0  }
0x12: {  	s1 =	sld [smem:$0x3F9D];
	s0 =	simm.s32 @p0 $0x1  }
0x13: {  	[smem:$0x3FB8] =	sst s0;
	s0 =	simm.s32 @!p1 $0x0  }
0x14: {  	s2 =	sld [smem:$0x3F9C];
	s0 =	simm.s32 @p1 $0x1  }
0x15: {  	[smem:$0x3FB9] =	sst s0;
	s0 =	simm.s32 @!p2 $0x0  }
0x16: {  	s3 =	sld [smem:$0x3FDB];
	s0 =	simm.s32 @p2 $0x1  }
0x17: {  	s4 =	simm.s32 $0x1BF5;
	[smem:$0x3FBB] =	sst s0  }
0x18: {  	s0 =	sld [smem:$0x3F9E];
	_ =	swait.ge [sflag:s4], $0x0  }
0x19: {  	s7 =	sld [smem:$0x3F9F]  }
0x1a: {  	s8 =	sadd.s32 $0xFFFFE003, lr  }
0x1b: {  	s9 =	sadd.s32 $0xFFFFFEF7, lr;
	s5 =	simm.s32 $0xFFFFFFFF;
	p2 =	slt.u32 s8, $0xFFFFF086  }
0x1c: {  	p1 =	slt.u32 s9, $0xF7A;
	s5 =	simm.s32 @!p2 $0x0  }
0x1d: {  	s5 =	simm.s32 @p1 $0x1;
	p0 =	seq.s32 s7, s2  }
0x1e: {  	s7 =	smul.u32 @!p0 $0xF7A, s2;
	p2 =	seq.s32 @!p0 s5, $0x0  }
0x1f: {  	s9 =	smul.u32 $0xF7A, s1;
	s8 =	simm.s32 @!p0 $0x1BF5;
	p2 =	por !p2, p0  }
0x20: {  	[sflag:s8] =	ssyncset.s32 @!p0 $0xFFFFF086;
	s6 =	sadd.s32 @!p0 s3, s7;
	s7 =	simm.s32 @!p0 $0x108  }
0x21: {  	s3 =	sadd.s32 s3, s9;
	s6 =	sadd.s32 @!p0 $0x88, s6;
	s7 =	simm.s32 @p2 $0x1082  }
0x22: {  	[simem:s7], [sflag:s8] =	dma.local @!p0 [hbm:s6], $0xF7A  }
0x23: {  	s9 =	sor.u32 $0xD0000000, s2;
	s6 =	simm.s32 $0x108;
	_ =	swait.ge @!p0 [sflag:s8], $0x0  }
0x24: {  	s3 =	sadd.s32 $0x88, s3;
	s6 =	simm.s32 @!p1 $0x1082;
	[sflag:s4] =	ssyncset.s32 $0xFFFFF086  }
0x25: {  	[simem:s6], [sflag:s4] =	dma.local [hbm:s3], $0xF7A  }
0x26: {  	[smem:$0x3F9F] =	sst s1;
	(tag) =	ssettag s2;
	_ =	strace s9  }
0x27: {  	s1 =	sld [smem:$0x3FAF]  }
0x28: {  	s2 =	sld [smem:$0x3FB0]  }
0x29: {  	s4 =	sld [smem:$0x3FB2]  }
0x2a: {  	p0 =	seq.s32 s5, $0x0;
	s5 =	sld [smem:$0x3FB3]  }
0x2b: {  	s6 =	sld [smem:$0x3FB4]  }
0x2c: {  	s7 =	sld [smem:$0x3FB5]  }
0x2d: {  	s3 =	simm.s32 $0x108;
	s8 =	sld [smem:$0x3FB6]  }
0x2e: {  	s3 =	simm.s32 @!p0 $0x1082;
	s9 =	sld [smem:$0x3FB7]  }
0x2f: {  	lr =	sadd.s32 s0, s3;
	s0 =	sld [smem:$0x3FAE]  }
0x30: {  	s3 =	sld [smem:$0x3FB1]  }
0x31: {  	[smem:$0x3FBA] =	sst s10  }
0x32: {  	s10 =	sld [smem:$0x3FB8];
	_ =	sdelay $0x3  }
0x33: {  	p0 =	seq.s32 s10, $0x1;
	s10 =	sld [smem:$0x3FBA];
	_ =	sdelay $0x3  }
0x34: {  	[smem:$0x3FBA] =	sst s10  }
0x35: {  	s10 =	sld [smem:$0x3FB9];
	_ =	sdelay $0x3  }
0x36: {  	p1 =	seq.s32 s10, $0x1;
	s10 =	sld [smem:$0x3FBA];
	_ =	sdelay $0x3  }
0x37: {  	[smem:$0x3FBA] =	sst s10  }
0x38: {  	s10 =	sld [smem:$0x3FBB]  }
0x39: {  	_ = 	snop;
	(pc) =	sbr.ind lr, $3  }
0x3a: {  	_ = 	snop  }
0x3b: {  	_ = 	snop  }
0x3c: {  	p2 =	seq.s32 s10, $0x1;
	s10 =	sld [smem:$0x3FBA]  }
0x3d: {  	_ =	shalt  }
0x3e: {  	_ =	shalt  }
0x3f: {  	_ =	shalt  }
0x40: {  	_ =	shalt  }
0x41: {  	_ =	shalt  }
0x42: {  	_ =	shalt  }
0x43: {  	_ =	shalt  }
0x44: {  	_ =	shalt  }
0x45: {  	_ =	shalt  }
0x46: {  	_ =	shalt  }
0x47: {  	_ =	shalt  }
0x48: {  	_ =	shalt  }
0x49: {  	_ =	shalt  }
0x4a: {  	_ =	shalt  }
0x4b: {  	_ =	shalt  }
0x4c: {  	_ =	shalt  }
0x4d: {  	_ =	shalt  }
0x4e: {  	_ =	shalt  }
0x4f: {  	_ =	shalt  }
0x50: {  	_ =	shalt  }
0x51: {  	_ =	shalt  }
0x52: {  	_ =	shalt  }
0x53: {  	_ =	shalt  }
0x54: {  	_ =	shalt  }
0x55: {  	_ =	shalt  }
0x56: {  	_ =	shalt  }
0x57: {  	_ =	shalt  }
0x58: {  	_ =	shalt  }
0x59: {  	_ =	shalt  }
0x5a: {  	_ =	shalt  }
0x5b: {  	_ =	shalt  }
0x5c: {  	_ =	shalt  }
0x5d: {  	_ =	shalt  }
0x5e: {  	_ =	shalt  }
0x5f: {  	_ =	shalt  }
0x60: {  	_ =	shalt  }
0x61: {  	_ =	shalt  }
0x62: {  	_ =	shalt  }
0x63: {  	_ =	shalt  }
0x64: {  	_ =	shalt  }
0x65: {  	_ =	shalt  }
0x66: {  	_ =	shalt  }
0x67: {  	_ =	shalt  }
0x68: {  	_ =	shalt  }
0x69: {  	_ =	shalt  }
0x6a: {  	_ =	shalt  }
0x6b: {  	_ =	shalt  }
0x6c: {  	_ =	shalt  }
0x6d: {  	_ =	shalt  }
0x6e: {  	_ =	shalt  }
0x6f: {  	_ =	shalt  }
0x70: {  	_ =	shalt  }
0x71: {  	_ =	shalt  }
0x72: {  	_ =	shalt  }
0x73: {  	_ =	shalt  }
0x74: {  	_ =	shalt  }
0x75: {  	_ =	shalt  }
0x76: {  	_ =	shalt  }
0x77: {  	_ =	shalt  }
0x78: {  	_ =	shalt  }
0x79: {  	_ =	shalt  }
0x7a: {  	_ =	shalt  }
0x7b: {  	_ =	shalt  }
0x7c: {  	_ =	shalt  }
0x7d: {  	_ =	shalt  }
0x7e: {  	_ =	shalt  }
0x7f: {  	_ =	shalt  }
0x80: {  	_ =	shalt  }
0x81: {  	_ =	shalt  }
0x82: {  	_ =	shalt  }
0x83: {  	_ =	shalt  }
0x84: {  	_ =	shalt  }
0x85: {  	_ =	shalt  }
0x86: {  	_ =	shalt  }
0x87: {  	_ =	shalt  }
.Lfunc_end0:
.L_simem_size_0:
called_computation_lowered:
.L_overlay_start_0:
0x88: {  	s2 =	sld [smem:$0x3FD9]  }
0x89: {  	s3 =	sld [smem:$0x3FFE];
	_ =	sdelay $0x1  }
0x8a: {  	s1 =	srdreg.scid  }
0x8b: {  	s0 =	sand.u32 $0x1, s1  }
0x8c: {  	s16 =	sshll.u32 s0, $0xA;
	s2 =	sadd.s32 s3, s2  }
0x8d: {  	s2 =	sadd.s32 s2, s16  }
0x8e: {  	[smem:$0x3FC6] =	sst s2  }
0x8f: {  	_ = 	snop  }
0x90: {  	(tm) =	ssettm $0x1  }
0x91: {  	s17 =	sld [smem:$0x3FFB];
	_ =	sdelay $0x3  }
0x92: {  	_ =	strace s17  }
0x93: {  	s2 =	sld [smem:$0x3FFC];
	_ =	sdelay $0x3  }
0x94: {  	_ =	strace s2  }
0x95: {  	s2 =	sld [smem:$0x3FFD];
	_ =	sdelay $0x3  }
0x96: {  	_ =	strace s2  }
0x97: {  	_ =	strace $0x8FFFFFFF  }
0x98: {  	s18 =	sld [smem:$0x3FDB];
	_ =	sdelay $0x1  }
0x99: {  	s19 =	simm.s32 $_scs_section_size  }
0x9a: {  	s4 =	simm.s32 $_size__tile_overlayer_lowered;
	s5 =	simm.s32 $_tile_overlayer_lowered  }
0x9b: {  	s22 =	simm.s32 $0x1BFF;
	s21 =	sshll.u32 s5, $0x1;
	s2 =	sadd.s32 s19, s18  }
0x9c: {  	s6 =	simm.s32 $0x0;
	s20 =	sshll.u32 s4, $0x1;
	s4 =	sadd.s32 s21, s2  }
0x9d: {  	[timem:s6], [sflag:s22] =	dma.local [hbm:s4], s20  }
0x9e: {  	_ =	swait.ge [sflag:s22], s20  }
0x9f: {  	s3 =	ssub.s32 $0x0, s20;
	[sflag:s22] =	ssyncset.done $0x0  }
0xa0: {  	[sflag:s22] =	ssyncadd.s32 s3;
	_ =	sdelay $0x1  }
0xa1: {  	s23 =	simm.s32 $0x1B8B  }
0xa2: {  	_ =	swait.ge [sflag:s23], $0x1  }
0xa3: {  	[sflag:s23] =	ssyncset.done $0x0  }
0xa4: {  	s25 =	simm.s32 $0x1B8E;
	s24 =	sld [smem:$0x3FFE];
	[sflag:s23] =	ssyncadd.s32 $0xFFFFFFFF  }
0xa5: {  	s26 =	simm.s32 $execute0_lowered;
	[smem:$0x3FD2] =	sst s25  }
0xa6: {  	s4 =	sshll.u32 s26, $0x1;
	_ =	strace $0x80000046;
	[dreg:$0x1] =	wrdreg $0xFFFFFFFF  }
0xa7: {  	s28 =	simm.s32 $_size_execute0_lowered;
	s2 =	sadd.s32 s2, s4;
	[dreg:$0x0] =	wrdreg $0x0  }
0xa8: {  	s4 =	sshll.u32 s28, $0x1;
	[dreg:$0x2] =	wrdreg s2  }
0xa9: {  	[dreg:$0x3] =	wrdreg s4  }
0xaa: {  	[dreg:$0x4] =	wrdreg $0xC0  }
0xab: {  	_ =	task [dreg:s6], $0x5FFFF  }
0xac: {  	[dreg:$0x1] =	wrdreg $0xFFFFFFFF  }
0xad: {  	[dreg:$0x0] =	wrdreg $0x60  }
0xae: {  	[dreg:$0x2] =	wrdreg s24  }
0xaf: {  	[dreg:$0x3] =	wrdreg $0x9  }
0xb0: {  	_ =	task.clear_ibuf [dreg:s6], $0x4FFFF;
	_ =	strace $0x90000046  }
0xb1: {  	s29 =	simm.s32 $0x9;
	_ =	strace $0x80000048  }
0xb2: {  	_ =	swait.ge [sflag:s29], $0x1  }
0xb3: {  	[sflag:s29] =	ssyncadd.s32 $0xFFFFFFFF  }
0xb4: {  	_ =	strace $0x90000048  }
0xb5: {  	_ =	sfence  }
0xb6: {  	s30 =	sld [smem:$0x0];
	_ =	sdelay $0x2  }
0xb7: {  	s31 =	sshll.u32 s1, $0xD;
	s1 =	sshrl.u32 s1, $0x2  }
0xb8: {  	s3 =	sand.u32 $0x4000, s31;
	s1 =	sadd.s32 s1, s30  }
0xb9: {  	s0 =	sor.u32 s3, s0;
	s1 =	sshll.u32 s1, $0x11  }
0xba: {  	s0 =	sor.u32 s1, s0  }
0xbb: {  	s0 =	sadd.s32 $0x8F2B, s0  }
0xbc: {  	[sflag:s0] =	ssyncadd.remote.s32 $0x1  }
0xbd: {  	_ =	sfence.sel $0xFFFF  }
0xbe: {  	[dreg:$0x0] =	wrdreg $0xFFFFFFFF;
	(pc) =	sbr.abs _section_cstart, $3  }
0xbf: {  	[dreg:$0x1] =	wrdreg $0xFFFFFFFF  }
0xc0: {  	_ =	task.clear_ibuf [dreg:s6], $0x2FFFF;
	_ =	strace $0x9FFFFFFF  }
0xc1: {  	(tm) =	ssettm $0x7FFFFFFF  }
tec
execute0_lowered:
.L_overlay_start_1:
0x0: {  	(tag) =	ssettag $0x1  }
0x1: {  	s1 =	srdreg.scid;
	s0 =	stileid.u32  }
0x2: {  	s6 =	sand.u32 $0x1, s1;
	s30 =	sshll.u32 s0, $0x1  }
0x3: {  	s9 =	rddreg [dreg:$0x0];
	s7 =	sor.u32 s6, s30  }
0x4: {  	s2 =	simm.s32 $0x0;
	s1 =	rddreg [dreg:$0x1];
	s3 =	smul.u32 $0x9, s7  }
0x5: {  	s8 =	simm.s32 $0x1;
	[smem:$0x7FF] =	sst s2;
	s5 =	sadd.s32 $0x2800, s9  }
0x6: {  	_ =	strace $0x80000047;
	s11 =	ssub.s32 $0x2, s6;
	s3 =	sadd.s32 s3, s9  }
0x7: {  	s6 =	simm.s32 $0x48;
	s4 =	sadd.s32 $0x6800, s3;
	s3 =	simm.s32 $0x2  }
0x8: {  	[tilespmem:s2], [sflag:$0x2] =	stream.linear.gather [hbm4b:s4+s2], $0x48, $0x38;
	[tilespmem:$0x2480] =	vst v63  }
0x9: {  	s10 =	smul.u32 $0x480, s7;
	s12 =	sshrl.u32 s11, $0x1;
	_ =	swait.ge [sflag:s3], $0x48  }
0xa: {  	s7 =	simm.s32 $0x80;
	s31 =	ssub.s32 s11, s12;
	[sflag:s3] =	ssyncset.done $0x0  }
0xb: {  	s9 =	sadd.s32 s10, s9;
	s10 =	smax.u32 s31, $0x1;
	[sflag:s3] =	ssyncadd.s32 $0xFFFFFFB8  }
0xc: {  	[tilespmem:s7], [sflag:$0x1] =	stream.indirect.gather [hbm4b:s5+s6], $0x80, s2, s6, $0xb8;
	[tilespmem:$0x2480] =	vst v63  }
0xd: {  	p0 =	sne.s32 s10, $0x1;
	_ =	swait.ge [sflag:s8], $0x2400  }
.Ltmp0:
0xe: {  	[sflag:s8] =	ssyncset.done $0x0;
	(pc) =	sbr.rel @!p0 .LBB2_2-.Ltmp0, $4  }
0xf: {  	s9 =	sadd.s32 $0x6A00, s9;
	[sflag:s8] =	ssyncadd.s32 $0xFFFFDC00  }
0x10: {  	[hbm4b:s9+s2] =	stream.linear.scatter [tilespmem:s7], [sflag:$0x2], $0x2400, $0x38;
	[tilespmem:$0x2480] =	vst v63  }
0x11: {  	_ =	swait.ge [sflag:s3], $0x2400  }
0x12: {  	s10 =	sadd.s32 $0xFFFFFFFF, s10;
	[sflag:s3] =	ssyncset.done $0x0  }
.LBB2_1:
0x13: {  	p0 =	sne.s32 s10, $0x1;
	s10 =	sadd.s32 $0xFFFFFFFF, s10;
	[sflag:s3] =	ssyncadd.s32 $0xFFFFDC00  }
0x14: {  	[tilespmem:s2], [sflag:$0x2] =	stream.linear.gather [hbm4b:s4+s2], $0x48, $0x38;
	[tilespmem:$0x2480] =	vst v63  }
0x15: {  	_ =	swait.ge [sflag:s3], $0x48  }
0x16: {  	[sflag:s3] =	ssyncset.done $0x0  }
0x17: {  	[sflag:s3] =	ssyncadd.s32 $0xFFFFFFB8  }
0x18: {  	[tilespmem:s7], [sflag:$0x1] =	stream.indirect.gather [hbm4b:s5+s6], $0x80, s2, s6, $0xb8;
	[tilespmem:$0x2480] =	vst v63  }
0x19: {  	_ =	swait.ge [sflag:s8], $0x2400  }
.Ltmp1:
0x1a: {  	[sflag:s8] =	ssyncset.done $0x0;
	(pc) =	sbr.rel @p0 .LBB2_1-.Ltmp1, $4  }
0x1b: {  	[sflag:s8] =	ssyncadd.s32 $0xFFFFDC00  }
0x1c: {  	[hbm4b:s9+s2] =	stream.linear.scatter [tilespmem:s7], [sflag:$0x2], $0x2400, $0x38;
	[tilespmem:$0x2480] =	vst v63  }
0x1d: {  	_ =	swait.ge [sflag:s3], $0x2400  }
0x1e: {  	[sflag:s3] =	ssyncset.done $0x0  }
.LBB2_2:
0x1f: {  	[sflag:s3] =	ssyncadd.s32 $0xFFFFDC00  }
0x20: {  	_ =	sfence.sel $0x180000  }
0x21: {  	[bflag:$0x0] =	sbarrier.arrive $0xFFFF  }
0x22: {  	p0 =	sne.s32 s0, $0x0;
	_ =	strace $0x90000047  }
0x23: {  	s0 =	sadd.s32 @!p0 $0x100000, s1;
	[bflag:$0x2] =	sbarrier.arrive $0xFFFF  }
0x24: {  	[sflag:s0] =	ssyncadd.tile.s32 @!p0 $0x1;
	_ =	shalt  }
.Lfunc_end2:
_tile_overlayer_lowered:
.L_overlay_start_2:
0x25: {  	(tag) =	ssettag $0x2  }
0x26: {  	s0 =	rddreg [dreg:$0x0];
	s2 =	stileid.u32  }
0x27: {  	s1 =	rddreg [dreg:$0x1];
	p0 =	sne.s32 s2, $0x0  }
0x28: {  	s3 =	rddreg [dreg:$0x2];
	[bflag:$0x3] =	sbarrier.arrive $0xFFFF;
	s2 =	simm.s32 @!p0 $0x1C02  }
0x29: {  	[timem:s3], [sflag:s2] =	dma.local @!p0 [hbm:s0], s1  }
0x2a: {  	s0 =	simm.s32 @!p0 $0x2  }
0x2b: {  	_ =	swait.ge @!p0 [sflag:s0], s1  }
0x2c: {  	s1 =	ssub.s32 @!p0 $0x0, s1;
	[sflag:s0] =	ssyncset.done @!p0 $0x0  }
0x2d: {  	[sflag:s0] =	ssyncadd.s32 @!p0 s1  }
0x2e: {  	[bflag:$0x3] =	sbarrier.arrive $0xFFFF  }
0x2f: {  	_ =	shalt  }

// kernel: kernel.14.cloned.1.call-start
scs
__scs_entry_jumppad:
0x0: {  	(pc) =	sbr.rel $0x88, $3  }
0x1: {  	(tag) =	ssettag $0x0;
	lr =	simm.s32 $0x1  }
0x2: {  	[smem:$0x3F9F] =	sst lr;
	_ =	strace $0xD0000000  }
0x3: {  	_ = 	snop  }
0x4: {  	_ = 	snop  }
0x5: {  	_ = 	snop  }
0x6: {  	_ = 	snop  }
0x7: {  	_ = 	snop  }
__scs_overlays_trampoline_lowered:
0x8: {  	[smem:$0x3FAE] =	sst s0  }
0x9: {  	[smem:$0x3FAF] =	sst s1  }
0xa: {  	[smem:$0x3FB0] =	sst s2  }
0xb: {  	[smem:$0x3FB1] =	sst s3  }
0xc: {  	[smem:$0x3FB2] =	sst s4  }
0xd: {  	[smem:$0x3FB3] =	sst s5  }
0xe: {  	[smem:$0x3FB4] =	sst s6  }
0xf: {  	[smem:$0x3FB5] =	sst s7  }
0x10: {  	[smem:$0x3FB6] =	sst s8  }
0x11: {  	[smem:$0x3FB7] =	sst s9;
	s0 =	simm.s32 @!p0 $0x0  }
0x12: {  	s1 =	sld [smem:$0x3F9D];
	s0 =	simm.s32 @p0 $0x1  }
0x13: {  	[smem:$0x3FB8] =	sst s0;
	s0 =	simm.s32 @!p1 $0x0  }
0x14: {  	s2 =	sld [smem:$0x3F9C];
	s0 =	simm.s32 @p1 $0x1  }
0x15: {  	[smem:$0x3FB9] =	sst s0;
	s0 =	simm.s32 @!p2 $0x0  }
0x16: {  	s3 =	sld [smem:$0x3FDB];
	s0 =	simm.s32 @p2 $0x1  }
0x17: {  	s4 =	simm.s32 $0x1BF5;
	[smem:$0x3FBB] =	sst s0  }
0x18: {  	s0 =	sld [smem:$0x3F9E];
	_ =	swait.ge [sflag:s4], $0x0  }
0x19: {  	s7 =	sld [smem:$0x3F9F]  }
0x1a: {  	s8 =	sadd.s32 $0xFFFFE003, lr  }
0x1b: {  	s9 =	sadd.s32 $0xFFFFFEF7, lr;
	s5 =	simm.s32 $0xFFFFFFFF;
	p2 =	slt.u32 s8, $0xFFFFF086  }
0x1c: {  	p1 =	slt.u32 s9, $0xF7A;
	s5 =	simm.s32 @!p2 $0x0  }
0x1d: {  	s5 =	simm.s32 @p1 $0x1;
	p0 =	seq.s32 s7, s2  }
0x1e: {  	s7 =	smul.u32 @!p0 $0xF7A, s2;
	p2 =	seq.s32 @!p0 s5, $0x0  }
0x1f: {  	s9 =	smul.u32 $0xF7A, s1;
	s8 =	simm.s32 @!p0 $0x1BF5;
	p2 =	por !p2, p0  }
0x20: {  	[sflag:s8] =	ssyncset.s32 @!p0 $0xFFFFF086;
	s6 =	sadd.s32 @!p0 s3, s7;
	s7 =	simm.s32 @!p0 $0x108  }
0x21: {  	s3 =	sadd.s32 s3, s9;
	s6 =	sadd.s32 @!p0 $0x88, s6;
	s7 =	simm.s32 @p2 $0x1082  }
0x22: {  	[simem:s7], [sflag:s8] =	dma.local @!p0 [hbm:s6], $0xF7A  }
0x23: {  	s9 =	sor.u32 $0xD0000000, s2;
	s6 =	simm.s32 $0x108;
	_ =	swait.ge @!p0 [sflag:s8], $0x0  }
0x24: {  	s3 =	sadd.s32 $0x88, s3;
	s6 =	simm.s32 @!p1 $0x1082;
	[sflag:s4] =	ssyncset.s32 $0xFFFFF086  }
0x25: {  	[simem:s6], [sflag:s4] =	dma.local [hbm:s3], $0xF7A  }
0x26: {  	[smem:$0x3F9F] =	sst s1;
	(tag) =	ssettag s2;
	_ =	strace s9  }
0x27: {  	s1 =	sld [smem:$0x3FAF]  }
0x28: {  	s2 =	sld [smem:$0x3FB0]  }
0x29: {  	s4 =	sld [smem:$0x3FB2]  }
0x2a: {  	p0 =	seq.s32 s5, $0x0;
	s5 =	sld [smem:$0x3FB3]  }
0x2b: {  	s6 =	sld [smem:$0x3FB4]  }
0x2c: {  	s7 =	sld [smem:$0x3FB5]  }
0x2d: {  	s3 =	simm.s32 $0x108;
	s8 =	sld [smem:$0x3FB6]  }
0x2e: {  	s3 =	simm.s32 @!p0 $0x1082;
	s9 =	sld [smem:$0x3FB7]  }
0x2f: {  	lr =	sadd.s32 s0, s3;
	s0 =	sld [smem:$0x3FAE]  }
0x30: {  	s3 =	sld [smem:$0x3FB1]  }
0x31: {  	[smem:$0x3FBA] =	sst s10  }
0x32: {  	s10 =	sld [smem:$0x3FB8];
	_ =	sdelay $0x3  }
0x33: {  	p0 =	seq.s32 s10, $0x1;
	s10 =	sld [smem:$0x3FBA];
	_ =	sdelay $0x3  }
0x34: {  	[smem:$0x3FBA] =	sst s10  }
0x35: {  	s10 =	sld [smem:$0x3FB9];
	_ =	sdelay $0x3  }
0x36: {  	p1 =	seq.s32 s10, $0x1;
	s10 =	sld [smem:$0x3FBA];
	_ =	sdelay $0x3  }
0x37: {  	[smem:$0x3FBA] =	sst s10  }
0x38: {  	s10 =	sld [smem:$0x3FBB]  }
0x39: {  	_ = 	snop;
	(pc) =	sbr.ind lr, $3  }
0x3a: {  	_ = 	snop  }
0x3b: {  	_ = 	snop  }
0x3c: {  	p2 =	seq.s32 s10, $0x1;
	s10 =	sld [smem:$0x3FBA]  }
0x3d: {  	_ =	shalt  }
0x3e: {  	_ =	shalt  }
0x3f: {  	_ =	shalt  }
0x40: {  	_ =	shalt  }
0x41: {  	_ =	shalt  }
0x42: {  	_ =	shalt  }
0x43: {  	_ =	shalt  }
0x44: {  	_ =	shalt  }
0x45: {  	_ =	shalt  }
0x46: {  	_ =	shalt  }
0x47: {  	_ =	shalt  }
0x48: {  	_ =	shalt  }
0x49: {  	_ =	shalt  }
0x4a: {  	_ =	shalt  }
0x4b: {  	_ =	shalt  }
0x4c: {  	_ =	shalt  }
0x4d: {  	_ =	shalt  }
0x4e: {  	_ =	shalt  }
0x4f: {  	_ =	shalt  }
0x50: {  	_ =	shalt  }
0x51: {  	_ =	shalt  }
0x52: {  	_ =	shalt  }
0x53: {  	_ =	shalt  }
0x54: {  	_ =	shalt  }
0x55: {  	_ =	shalt  }
0x56: {  	_ =	shalt  }
0x57: {  	_ =	shalt  }
0x58: {  	_ =	shalt  }
0x59: {  	_ =	shalt  }
0x5a: {  	_ =	shalt  }
0x5b: {  	_ =	shalt  }
0x5c: {  	_ =	shalt  }
0x5d: {  	_ =	shalt  }
0x5e: {  	_ =	shalt  }
0x5f: {  	_ =	shalt  }
0x60: {  	_ =	shalt  }
0x61: {  	_ =	shalt  }
0x62: {  	_ =	shalt  }
0x63: {  	_ =	shalt  }
0x64: {  	_ =	shalt  }
0x65: {  	_ =	shalt  }
0x66: {  	_ =	shalt  }
0x67: {  	_ =	shalt  }
0x68: {  	_ =	shalt  }
0x69: {  	_ =	shalt  }
0x6a: {  	_ =	shalt  }
0x6b: {  	_ =	shalt  }
0x6c: {  	_ =	shalt  }
0x6d: {  	_ =	shalt  }
0x6e: {  	_ =	shalt  }
0x6f: {  	_ =	shalt  }
0x70: {  	_ =	shalt  }
0x71: {  	_ =	shalt  }
0x72: {  	_ =	shalt  }
0x73: {  	_ =	shalt  }
0x74: {  	_ =	shalt  }
0x75: {  	_ =	shalt  }
0x76: {  	_ =	shalt  }
0x77: {  	_ =	shalt  }
0x78: {  	_ =	shalt  }
0x79: {  	_ =	shalt  }
0x7a: {  	_ =	shalt  }
0x7b: {  	_ =	shalt  }
0x7c: {  	_ =	shalt  }
0x7d: {  	_ =	shalt  }
0x7e: {  	_ =	shalt  }
0x7f: {  	_ =	shalt  }
0x80: {  	_ =	shalt  }
0x81: {  	_ =	shalt  }
0x82: {  	_ =	shalt  }
0x83: {  	_ =	shalt  }
0x84: {  	_ =	shalt  }
0x85: {  	_ =	shalt  }
0x86: {  	_ =	shalt  }
0x87: {  	_ =	shalt  }
.Lfunc_end0:
.L_simem_size_0:
called_computation.1_lowered:
.L_overlay_start_0:
0x88: {  	s2 =	sld [smem:$0x3FD9]  }
0x89: {  	s3 =	sld [smem:$0x3FFE];
	_ =	sdelay $0x1  }
0x8a: {  	s1 =	srdreg.scid  }
0x8b: {  	s0 =	sand.u32 $0x1, s1  }
0x8c: {  	s17 =	sshll.u32 s0, $0xA;
	s2 =	sadd.s32 s3, s2  }
0x8d: {  	s2 =	sadd.s32 s2, s17  }
0x8e: {  	[smem:$0x3FC6] =	sst s2  }
0x8f: {  	_ = 	snop  }
0x90: {  	(tm) =	ssettm $0x1  }
0x91: {  	s18 =	sld [smem:$0x3FFB];
	_ =	sdelay $0x3  }
0x92: {  	_ =	strace s18  }
0x93: {  	s2 =	sld [smem:$0x3FFC];
	_ =	sdelay $0x3  }
0x94: {  	_ =	strace s2  }
0x95: {  	s2 =	sld [smem:$0x3FFD];
	_ =	sdelay $0x3  }
0x96: {  	_ =	strace s2  }
0x97: {  	_ =	strace $0x8FFFFFFF  }
0x98: {  	s19 =	sld [smem:$0x3FDB];
	_ =	sdelay $0x1  }
0x99: {  	s20 =	simm.s32 $_scs_section_size  }
0x9a: {  	s4 =	simm.s32 $_size__tile_overlayer_lowered;
	s5 =	simm.s32 $_tile_overlayer_lowered  }
0x9b: {  	s6 =	simm.s32 $0x1BFF;
	s21 =	sshll.u32 s5, $0x1;
	s3 =	sadd.s32 s20, s19  }
0x9c: {  	s22 =	simm.s32 $0x0;
	s4 =	sshll.u32 s4, $0x1;
	s5 =	sadd.s32 s21, s3  }
0x9d: {  	[timem:s22], [sflag:s6] =	dma.local [hbm:s5], s4  }
0x9e: {  	_ =	swait.ge [sflag:s6], s4  }
0x9f: {  	s4 =	ssub.s32 $0x0, s4;
	[sflag:s6] =	ssyncset.done $0x0  }
0xa0: {  	[sflag:s6] =	ssyncadd.s32 s4;
	_ =	sdelay $0x1  }
0xa1: {  	s23 =	simm.s32 $0x1B8B  }
0xa2: {  	_ =	swait.ge [sflag:s23], $0x1  }
0xa3: {  	[sflag:s23] =	ssyncset.done $0x0  }
0xa4: {  	[sflag:s23] =	ssyncadd.s32 $0xFFFFFFFF  }
0xa5: {  	s4 =	sld [smem:$0x0]  }
0xa6: {  	s5 =	sand.u32 $0xFFFFFFFE, s1  }
0xa7: {  	p0 =	sne.s32 s1, s5  }
0xa8: {  	s5 =	sshll.u32 @p0 s5, $0xE  }
0xa9: {  	s5 =	sadd.s32 @p0 $0x11B8D, s5;
	s6 =	sshll.u32 @p0 s4, $0x11  }
0xaa: {  	s5 =	sor.u32 @p0 s6, s5  }
0xab: {  	[sflag:s5] =	ssyncadd.remote.s32 @p0 $0x1;
	_ =	sdelay $0x1  }
0xac: {  	s5 =	simm.s32 @p0 $0x1B8D  }
0xad: {  	_ =	swait.eq @p0 [sflag:s5], $0x1  }
0xae: {  	[sflag:s5] =	ssyncadd.s32 @p0 $0xFFFFFFFF  }
0xaf: {  	s6 =	sshll.u32 @!p0 s1, $0xE  }
0xb0: {  	s6 =	sor.u32 @!p0 $0x4000, s6;
	s5 =	simm.s32 @!p0 $0x1B8D  }
0xb1: {  	s4 =	sshll.u32 @!p0 s4, $0x11;
	s6 =	sadd.s32 @!p0 $0x11B8D, s6;
	_ =	swait.eq @!p0 [sflag:s5], $0x1  }
0xb2: {  	s4 =	sor.u32 @!p0 s4, s6;
	[sflag:s5] =	ssyncadd.s32 @!p0 $0xFFFFFFFF  }
0xb3: {  	s25 =	simm.s32 $0x1B8E;
	s24 =	sld [smem:$0x3FFE];
	[sflag:s4] =	ssyncadd.remote.s32 @!p0 $0x1  }
0xb4: {  	s26 =	simm.s32 $execute0_lowered;
	[smem:$0x3FD2] =	sst s25  }
0xb5: {  	s5 =	sshll.u32 s26, $0x1;
	_ =	strace $0x80000049;
	[dreg:$0x1] =	wrdreg $0xFFFFFFFF  }
0xb6: {  	s28 =	simm.s32 $_size_execute0_lowered;
	s3 =	sadd.s32 s3, s5;
	[dreg:$0x0] =	wrdreg $0x0  }
0xb7: {  	s5 =	sshll.u32 s28, $0x1;
	[dreg:$0x2] =	wrdreg s3  }
0xb8: {  	[dreg:$0x3] =	wrdreg s5  }
0xb9: {  	[dreg:$0x4] =	wrdreg $0xC0  }
0xba: {  	_ =	task [dreg:s22], $0x5FFFF  }
0xbb: {  	[dreg:$0x1] =	wrdreg $0xFFFFFFFF  }
0xbc: {  	[dreg:$0x0] =	wrdreg $0x60  }
0xbd: {  	[dreg:$0x2] =	wrdreg s24  }
0xbe: {  	[dreg:$0x3] =	wrdreg $0xA  }
0xbf: {  	_ =	task.clear_ibuf [dreg:s22], $0x4FFFF;
	_ =	strace $0x90000049  }
0xc0: {  	s29 =	simm.s32 $0xA;
	_ =	strace $0x8000004B  }
0xc1: {  	_ =	swait.ge [sflag:s29], $0x1  }
0xc2: {  	[sflag:s29] =	ssyncadd.s32 $0xFFFFFFFF  }
0xc3: {  	_ =	strace $0x9000004B  }
0xc4: {  	_ =	sfence  }
0xc5: {  	s30 =	sld [smem:$0x0];
	_ =	sdelay $0x2  }
0xc6: {  	s31 =	sshll.u32 s1, $0xD;
	s1 =	sshrl.u32 s1, $0x2  }
0xc7: {  	s4 =	sand.u32 $0x4000, s31;
	s1 =	sadd.s32 s1, s30  }
0xc8: {  	s0 =	sor.u32 s4, s0;
	s1 =	sshll.u32 s1, $0x11  }
0xc9: {  	s0 =	sor.u32 s1, s0  }
0xca: {  	s0 =	sadd.s32 $0x8F2B, s0  }
0xcb: {  	[sflag:s0] =	ssyncadd.remote.s32 $0x1  }
0xcc: {  	_ =	sfence.sel $0xFFFF  }
0xcd: {  	[dreg:$0x0] =	wrdreg $0xFFFFFFFF;
	(pc) =	sbr.abs _section_cstart, $3  }
0xce: {  	[dreg:$0x1] =	wrdreg $0xFFFFFFFF  }
0xcf: {  	_ =	task.clear_ibuf [dreg:s22], $0x2FFFF;
	_ =	strace $0x9FFFFFFF  }
0xd0: {  	(tm) =	ssettm $0x7FFFFFFF  }
0xd1: {  	_ =	shalt  }
tec
execute0_lowered:
.L_overlay_start_1:
0x0: {  	(tag) =	ssettag $0x1  }
0x1: {  	s1 =	srdreg.scid;
	s0 =	stileid.u32  }
0x2: {  	s6 =	sand.u32 $0x1, s1;
	s30 =	sshll.u32 s0, $0x1  }
0x3: {  	s9 =	rddreg [dreg:$0x0];
	s7 =	sor.u32 s6, s30  }
0x4: {  	s2 =	simm.s32 $0x0;
	s1 =	rddreg [dreg:$0x1];
	s3 =	smul.u32 $0x9, s7  }
0x5: {  	s8 =	simm.s32 $0x1;
	[smem:$0x7FF] =	sst s2;
	s5 =	sadd.s32 $0x2800, s9  }
0x6: {  	_ =	strace $0x8000004A;
	s11 =	ssub.s32 $0x2, s6;
	s3 =	sadd.s32 s3, s9  }
0x7: {  	s6 =	simm.s32 $0x48;
	s4 =	sadd.s32 $0xFA00, s3;
	s3 =	simm.s32 $0x2  }
0x8: {  	[tilespmem:s2], [sflag:$0x2] =	stream.linear.gather [hbm4b:s4+s2], $0x48, $0x38;
	[tilespmem:$0x2480] =	vst v63  }
0x9: {  	s10 =	smul.u32 $0x480, s7;
	s12 =	sshrl.u32 s11, $0x1;
	_ =	swait.ge [sflag:s3], $0x48  }
0xa: {  	s7 =	simm.s32 $0x80;
	s31 =	ssub.s32 s11, s12;
	[sflag:s3] =	ssyncset.done $0x0  }
0xb: {  	s9 =	sadd.s32 s10, s9;
	s10 =	smax.u32 s31, $0x1;
	[sflag:s3] =	ssyncadd.s32 $0xFFFFFFB8  }
0xc: {  	[tilespmem:s7], [sflag:$0x1] =	stream.indirect.gather [hbm4b:s5+s6], $0x80, s2, s6, $0xb8;
	[tilespmem:$0x2480] =	vst v63  }
0xd: {  	p0 =	sne.s32 s10, $0x1;
	_ =	swait.ge [sflag:s8], $0x2400  }
.Ltmp0:
0xe: {  	[sflag:s8] =	ssyncset.done $0x0;
	(pc) =	sbr.rel @!p0 .LBB2_2-.Ltmp0, $4  }
0xf: {  	s9 =	sadd.s32 $0xFC00, s9;
	[sflag:s8] =	ssyncadd.s32 $0xFFFFDC00  }
0x10: {  	[hbm4b:s9+s2] =	stream.linear.scatter [tilespmem:s7], [sflag:$0x2], $0x2400, $0x38;
	[tilespmem:$0x2480] =	vst v63  }
0x11: {  	_ =	swait.ge [sflag:s3], $0x2400  }
0x12: {  	s10 =	sadd.s32 $0xFFFFFFFF, s10;
	[sflag:s3] =	ssyncset.done $0x0  }
.LBB2_1:
0x13: {  	p0 =	sne.s32 s10, $0x1;
	s10 =	sadd.s32 $0xFFFFFFFF, s10;
	[sflag:s3] =	ssyncadd.s32 $0xFFFFDC00  }
0x14: {  	[tilespmem:s2], [sflag:$0x2] =	stream.linear.gather [hbm4b:s4+s2], $0x48, $0x38;
	[tilespmem:$0x2480] =	vst v63  }
0x15: {  	_ =	swait.ge [sflag:s3], $0x48  }
0x16: {  	[sflag:s3] =	ssyncset.done $0x0  }
0x17: {  	[sflag:s3] =	ssyncadd.s32 $0xFFFFFFB8  }
0x18: {  	[tilespmem:s7], [sflag:$0x1] =	stream.indirect.gather [hbm4b:s5+s6], $0x80, s2, s6, $0xb8;
	[tilespmem:$0x2480] =	vst v63  }
0x19: {  	_ =	swait.ge [sflag:s8], $0x2400  }
.Ltmp1:
0x1a: {  	[sflag:s8] =	ssyncset.done $0x0;
	(pc) =	sbr.rel @p0 .LBB2_1-.Ltmp1, $4  }
0x1b: {  	[sflag:s8] =	ssyncadd.s32 $0xFFFFDC00  }
0x1c: {  	[hbm4b:s9+s2] =	stream.linear.scatter [tilespmem:s7], [sflag:$0x2], $0x2400, $0x38;
	[tilespmem:$0x2480] =	vst v63  }
0x1d: {  	_ =	swait.ge [sflag:s3], $0x2400  }
0x1e: {  	[sflag:s3] =	ssyncset.done $0x0  }
.LBB2_2:
0x1f: {  	[sflag:s3] =	ssyncadd.s32 $0xFFFFDC00  }
0x20: {  	_ =	sfence.sel $0x180000  }
0x21: {  	[bflag:$0x0] =	sbarrier.arrive $0xFFFF  }
0x22: {  	p0 =	sne.s32 s0, $0x0;
	_ =	strace $0x9000004A  }
0x23: {  	s0 =	sadd.s32 @!p0 $0x100000, s1;
	[bflag:$0x2] =	sbarrier.arrive $0xFFFF  }
0x24: {  	[sflag:s0] =	ssyncadd.tile.s32 @!p0 $0x1;
	_ =	shalt  }
.Lfunc_end2:
_tile_overlayer_lowered:
.L_overlay_start_2:
0x25: {  	(tag) =	ssettag $0x2  }
0x26: {  	s0 =	rddreg [dreg:$0x0];
	s2 =	stileid.u32  }
0x27: {  	s1 =	rddreg [dreg:$0x1];
	p0 =	sne.s32 s2, $0x0  }
0x28: {  	s3 =	rddreg [dreg:$0x2];
	[bflag:$0x3] =	sbarrier.arrive $0xFFFF;
	s2 =	simm.s32 @!p0 $0x1C02  }
0x29: {  	[timem:s3], [sflag:s2] =	dma.local @!p0 [hbm:s0], s1  }
0x2a: {  	s0 =	simm.s32 @!p0 $0x2  }
0x2b: {  	_ =	swait.ge @!p0 [sflag:s0], s1  }
0x2c: {  	s1 =	ssub.s32 @!p0 $0x0, s1;
	[sflag:s0] =	ssyncset.done @!p0 $0x0  }
0x2d: {  	[sflag:s0] =	ssyncadd.s32 @!p0 s1  }
0x2e: {  	[bflag:$0x3] =	sbarrier.arrive $0xFFFF  }
0x2f: {  	_ =	shalt  }

// kernel: kernel.17.cloned.1.call-start
scs
__scs_entry_jumppad:
0x0: {  	(pc) =	sbr.rel $0x88, $3  }
0x1: {  	(tag) =	ssettag $0x0;
	lr =	simm.s32 $0x1  }
0x2: {  	[smem:$0x3F9F] =	sst lr;
	_ =	strace $0xD0000000  }
0x3: {  	_ = 	snop  }
0x4: {  	_ = 	snop  }
0x5: {  	_ = 	snop  }
0x6: {  	_ = 	snop  }
0x7: {  	_ = 	snop  }
__scs_overlays_trampoline_lowered:
0x8: {  	[smem:$0x3FAE] =	sst s0  }
0x9: {  	[smem:$0x3FAF] =	sst s1  }
0xa: {  	[smem:$0x3FB0] =	sst s2  }
0xb: {  	[smem:$0x3FB1] =	sst s3  }
0xc: {  	[smem:$0x3FB2] =	sst s4  }
0xd: {  	[smem:$0x3FB3] =	sst s5  }
0xe: {  	[smem:$0x3FB4] =	sst s6  }
0xf: {  	[smem:$0x3FB5] =	sst s7  }
0x10: {  	[smem:$0x3FB6] =	sst s8  }
0x11: {  	[smem:$0x3FB7] =	sst s9;
	s0 =	simm.s32 @!p0 $0x0  }
0x12: {  	s1 =	sld [smem:$0x3F9D];
	s0 =	simm.s32 @p0 $0x1  }
0x13: {  	[smem:$0x3FB8] =	sst s0;
	s0 =	simm.s32 @!p1 $0x0  }
0x14: {  	s2 =	sld [smem:$0x3F9C];
	s0 =	simm.s32 @p1 $0x1  }
0x15: {  	[smem:$0x3FB9] =	sst s0;
	s0 =	simm.s32 @!p2 $0x0  }
0x16: {  	s3 =	sld [smem:$0x3FDB];
	s0 =	simm.s32 @p2 $0x1  }
0x17: {  	s4 =	simm.s32 $0x1BF5;
	[smem:$0x3FBB] =	sst s0  }
0x18: {  	s0 =	sld [smem:$0x3F9E];
	_ =	swait.ge [sflag:s4], $0x0  }
0x19: {  	s7 =	sld [smem:$0x3F9F]  }
0x1a: {  	s8 =	sadd.s32 $0xFFFFE003, lr  }
0x1b: {  	s9 =	sadd.s32 $0xFFFFFEF7, lr;
	s5 =	simm.s32 $0xFFFFFFFF;
	p2 =	slt.u32 s8, $0xFFFFF086  }
0x1c: {  	p1 =	slt.u32 s9, $0xF7A;
	s5 =	simm.s32 @!p2 $0x0  }
0x1d: {  	s5 =	simm.s32 @p1 $0x1;
	p0 =	seq.s32 s7, s2  }
0x1e: {  	s7 =	smul.u32 @!p0 $0xF7A, s2;
	p2 =	seq.s32 @!p0 s5, $0x0  }
0x1f: {  	s9 =	smul.u32 $0xF7A, s1;
	s8 =	simm.s32 @!p0 $0x1BF5;
	p2 =	por !p2, p0  }
0x20: {  	[sflag:s8] =	ssyncset.s32 @!p0 $0xFFFFF086;
	s6 =	sadd.s32 @!p0 s3, s7;
	s7 =	simm.s32 @!p0 $0x108  }
0x21: {  	s3 =	sadd.s32 s3, s9;
	s6 =	sadd.s32 @!p0 $0x88, s6;
	s7 =	simm.s32 @p2 $0x1082  }
0x22: {  	[simem:s7], [sflag:s8] =	dma.local @!p0 [hbm:s6], $0xF7A  }
0x23: {  	s9 =	sor.u32 $0xD0000000, s2;
	s6 =	simm.s32 $0x108;
	_ =	swait.ge @!p0 [sflag:s8], $0x0  }
0x24: {  	s3 =	sadd.s32 $0x88, s3;
	s6 =	simm.s32 @!p1 $0x1082;
	[sflag:s4] =	ssyncset.s32 $0xFFFFF086  }
0x25: {  	[simem:s6], [sflag:s4] =	dma.local [hbm:s3], $0xF7A  }
0x26: {  	[smem:$0x3F9F] =	sst s1;
	(tag) =	ssettag s2;
	_ =	strace s9  }
0x27: {  	s1 =	sld [smem:$0x3FAF]  }
0x28: {  	s2 =	sld [smem:$0x3FB0]  }
0x29: {  	s4 =	sld [smem:$0x3FB2]  }
0x2a: {  	p0 =	seq.s32 s5, $0x0;
	s5 =	sld [smem:$0x3FB3]  }
0x2b: {  	s6 =	sld [smem:$0x3FB4]  }
0x2c: {  	s7 =	sld [smem:$0x3FB5]  }
0x2d: {  	s3 =	simm.s32 $0x108;
	s8 =	sld [smem:$0x3FB6]  }
0x2e: {  	s3 =	simm.s32 @!p0 $0x1082;
	s9 =	sld [smem:$0x3FB7]  }
0x2f: {  	lr =	sadd.s32 s0, s3;
	s0 =	sld [smem:$0x3FAE]  }
0x30: {  	s3 =	sld [smem:$0x3FB1]  }
0x31: {  	[smem:$0x3FBA] =	sst s10  }
0x32: {  	s10 =	sld [smem:$0x3FB8];
	_ =	sdelay $0x3  }
0x33: {  	p0 =	seq.s32 s10, $0x1;
	s10 =	sld [smem:$0x3FBA];
	_ =	sdelay $0x3  }
0x34: {  	[smem:$0x3FBA] =	sst s10  }
0x35: {  	s10 =	sld [smem:$0x3FB9];
	_ =	sdelay $0x3  }
0x36: {  	p1 =	seq.s32 s10, $0x1;
	s10 =	sld [smem:$0x3FBA];
	_ =	sdelay $0x3  }
0x37: {  	[smem:$0x3FBA] =	sst s10  }
0x38: {  	s10 =	sld [smem:$0x3FBB]  }
0x39: {  	_ = 	snop;
	(pc) =	sbr.ind lr, $3  }
0x3a: {  	_ = 	snop  }
0x3b: {  	_ = 	snop  }
0x3c: {  	p2 =	seq.s32 s10, $0x1;
	s10 =	sld [smem:$0x3FBA]  }
0x3d: {  	_ =	shalt  }
0x3e: {  	_ =	shalt  }
0x3f: {  	_ =	shalt  }
0x40: {  	_ =	shalt  }
0x41: {  	_ =	shalt  }
0x42: {  	_ =	shalt  }
0x43: {  	_ =	shalt  }
0x44: {  	_ =	shalt  }
0x45: {  	_ =	shalt  }
0x46: {  	_ =	shalt  }
0x47: {  	_ =	shalt  }
0x48: {  	_ =	shalt  }
0x49: {  	_ =	shalt  }
0x4a: {  	_ =	shalt  }
0x4b: {  	_ =	shalt  }
0x4c: {  	_ =	shalt  }
0x4d: {  	_ =	shalt  }
0x4e: {  	_ =	shalt  }
0x4f: {  	_ =	shalt  }
0x50: {  	_ =	shalt  }
0x51: {  	_ =	shalt  }
0x52: {  	_ =	shalt  }
0x53: {  	_ =	shalt  }
0x54: {  	_ =	shalt  }
0x55: {  	_ =	shalt  }
0x56: {  	_ =	shalt  }
0x57: {  	_ =	shalt  }
0x58: {  	_ =	shalt  }
0x59: {  	_ =	shalt  }
0x5a: {  	_ =	shalt  }
0x5b: {  	_ =	shalt  }
0x5c: {  	_ =	shalt  }
0x5d: {  	_ =	shalt  }
0x5e: {  	_ =	shalt  }
0x5f: {  	_ =	shalt  }
0x60: {  	_ =	shalt  }
0x61: {  	_ =	shalt  }
0x62: {  	_ =	shalt  }
0x63: {  	_ =	shalt  }
0x64: {  	_ =	shalt  }
0x65: {  	_ =	shalt  }
0x66: {  	_ =	shalt  }
0x67: {  	_ =	shalt  }
0x68: {  	_ =	shalt  }
0x69: {  	_ =	shalt  }
0x6a: {  	_ =	shalt  }
0x6b: {  	_ =	shalt  }
0x6c: {  	_ =	shalt  }
0x6d: {  	_ =	shalt  }
0x6e: {  	_ =	shalt  }
0x6f: {  	_ =	shalt  }
0x70: {  	_ =	shalt  }
0x71: {  	_ =	shalt  }
0x72: {  	_ =	shalt  }
0x73: {  	_ =	shalt  }
0x74: {  	_ =	shalt  }
0x75: {  	_ =	shalt  }
0x76: {  	_ =	shalt  }
0x77: {  	_ =	shalt  }
0x78: {  	_ =	shalt  }
0x79: {  	_ =	shalt  }
0x7a: {  	_ =	shalt  }
0x7b: {  	_ =	shalt  }
0x7c: {  	_ =	shalt  }
0x7d: {  	_ =	shalt  }
0x7e: {  	_ =	shalt  }
0x7f: {  	_ =	shalt  }
0x80: {  	_ =	shalt  }
0x81: {  	_ =	shalt  }
0x82: {  	_ =	shalt  }
0x83: {  	_ =	shalt  }
0x84: {  	_ =	shalt  }
0x85: {  	_ =	shalt  }
0x86: {  	_ =	shalt  }
0x87: {  	_ =	shalt  }
.Lfunc_end0:
.L_simem_size_0:
called_computation.2_lowered:
.L_overlay_start_0:
0x88: {  	s2 =	sld [smem:$0x3FD9]  }
0x89: {  	s3 =	sld [smem:$0x3FFE];
	_ =	sdelay $0x1  }
0x8a: {  	s1 =	srdreg.scid  }
0x8b: {  	s0 =	sand.u32 $0x1, s1  }
0x8c: {  	s17 =	sshll.u32 s0, $0xA;
	s2 =	sadd.s32 s3, s2  }
0x8d: {  	s2 =	sadd.s32 s2, s17  }
0x8e: {  	[smem:$0x3FC6] =	sst s2  }
0x8f: {  	_ = 	snop  }
0x90: {  	(tm) =	ssettm $0x1  }
0x91: {  	s18 =	sld [smem:$0x3FFB];
	_ =	sdelay $0x3  }
0x92: {  	_ =	strace s18  }
0x93: {  	s2 =	sld [smem:$0x3FFC];
	_ =	sdelay $0x3  }
0x94: {  	_ =	strace s2  }
0x95: {  	s2 =	sld [smem:$0x3FFD];
	_ =	sdelay $0x3  }
0x96: {  	_ =	strace s2  }
0x97: {  	_ =	strace $0x8FFFFFFF  }
0x98: {  	s19 =	sld [smem:$0x3FDB];
	_ =	sdelay $0x1  }
0x99: {  	s20 =	simm.s32 $_scs_section_size  }
0x9a: {  	s4 =	simm.s32 $_size__tile_overlayer_lowered;
	s5 =	simm.s32 $_tile_overlayer_lowered  }
0x9b: {  	s6 =	simm.s32 $0x1BFF;
	s21 =	sshll.u32 s5, $0x1;
	s3 =	sadd.s32 s20, s19  }
0x9c: {  	s22 =	simm.s32 $0x0;
	s4 =	sshll.u32 s4, $0x1;
	s5 =	sadd.s32 s21, s3  }
0x9d: {  	[timem:s22], [sflag:s6] =	dma.local [hbm:s5], s4  }
0x9e: {  	_ =	swait.ge [sflag:s6], s4  }
0x9f: {  	s4 =	ssub.s32 $0x0, s4;
	[sflag:s6] =	ssyncset.done $0x0  }
0xa0: {  	[sflag:s6] =	ssyncadd.s32 s4;
	_ =	sdelay $0x1  }
0xa1: {  	s23 =	simm.s32 $0x1B8B  }
0xa2: {  	_ =	swait.ge [sflag:s23], $0x1  }
0xa3: {  	[sflag:s23] =	ssyncset.done $0x0  }
0xa4: {  	[sflag:s23] =	ssyncadd.s32 $0xFFFFFFFF  }
0xa5: {  	s4 =	sld [smem:$0x0]  }
0xa6: {  	s5 =	sand.u32 $0xFFFFFFFE, s1  }
0xa7: {  	p0 =	sne.s32 s1, s5  }
0xa8: {  	s5 =	sshll.u32 @p0 s5, $0xE  }
0xa9: {  	s5 =	sadd.s32 @p0 $0x11B8D, s5;
	s6 =	sshll.u32 @p0 s4, $0x11  }
0xaa: {  	s5 =	sor.u32 @p0 s6, s5  }
0xab: {  	[sflag:s5] =	ssyncadd.remote.s32 @p0 $0x1;
	_ =	sdelay $0x1  }
0xac: {  	s5 =	simm.s32 @p0 $0x1B8D  }
0xad: {  	_ =	swait.eq @p0 [sflag:s5], $0x1  }
0xae: {  	[sflag:s5] =	ssyncadd.s32 @p0 $0xFFFFFFFF  }
0xaf: {  	s6 =	sshll.u32 @!p0 s1, $0xE  }
0xb0: {  	s6 =	sor.u32 @!p0 $0x4000, s6;
	s5 =	simm.s32 @!p0 $0x1B8D  }
0xb1: {  	s4 =	sshll.u32 @!p0 s4, $0x11;
	s6 =	sadd.s32 @!p0 $0x11B8D, s6;
	_ =	swait.eq @!p0 [sflag:s5], $0x1  }
0xb2: {  	s4 =	sor.u32 @!p0 s4, s6;
	[sflag:s5] =	ssyncadd.s32 @!p0 $0xFFFFFFFF  }
0xb3: {  	s25 =	simm.s32 $0x1B8E;
	s24 =	sld [smem:$0x3FFE];
	[sflag:s4] =	ssyncadd.remote.s32 @!p0 $0x1  }
0xb4: {  	s26 =	simm.s32 $execute0_lowered;
	[smem:$0x3FD2] =	sst s25  }
0xb5: {  	s5 =	sshll.u32 s26, $0x1;
	_ =	strace $0x8000004C;
	[dreg:$0x1] =	wrdreg $0xFFFFFFFF  }
0xb6: {  	s28 =	simm.s32 $_size_execute0_lowered;
	s3 =	sadd.s32 s3, s5;
	[dreg:$0x0] =	wrdreg $0x0  }
0xb7: {  	s5 =	sshll.u32 s28, $0x1;
	[dreg:$0x2] =	wrdreg s3  }
0xb8: {  	[dreg:$0x3] =	wrdreg s5  }
0xb9: {  	[dreg:$0x4] =	wrdreg $0xC0  }
0xba: {  	_ =	task [dreg:s22], $0x5FFFF  }
0xbb: {  	[dreg:$0x1] =	wrdreg $0xFFFFFFFF  }
0xbc: {  	[dreg:$0x0] =	wrdreg $0x60  }
0xbd: {  	[dreg:$0x2] =	wrdreg s24  }
0xbe: {  	[dreg:$0x3] =	wrdreg $0xB  }
0xbf: {  	_ =	task.clear_ibuf [dreg:s22], $0x4FFFF;
	_ =	strace $0x9000004C  }
0xc0: {  	s29 =	simm.s32 $0xB;
	_ =	strace $0x8000004E  }
0xc1: {  	_ =	swait.ge [sflag:s29], $0x1  }
0xc2: {  	[sflag:s29] =	ssyncadd.s32 $0xFFFFFFFF  }
0xc3: {  	_ =	strace $0x9000004E  }
0xc4: {  	_ =	sfence  }
0xc5: {  	s30 =	sld [smem:$0x0];
	_ =	sdelay $0x2  }
0xc6: {  	s31 =	sshll.u32 s1, $0xD;
	s1 =	sshrl.u32 s1, $0x2  }
0xc7: {  	s4 =	sand.u32 $0x4000, s31;
	s1 =	sadd.s32 s1, s30  }
0xc8: {  	s0 =	sor.u32 s4, s0;
	s1 =	sshll.u32 s1, $0x11  }
0xc9: {  	s0 =	sor.u32 s1, s0  }
0xca: {  	s0 =	sadd.s32 $0x8F2B, s0  }
0xcb: {  	[sflag:s0] =	ssyncadd.remote.s32 $0x1  }
0xcc: {  	_ =	sfence.sel $0xFFFF  }
0xcd: {  	[dreg:$0x0] =	wrdreg $0xFFFFFFFF;
	(pc) =	sbr.abs _section_cstart, $3  }
0xce: {  	[dreg:$0x1] =	wrdreg $0xFFFFFFFF  }
0xcf: {  	_ =	task.clear_ibuf [dreg:s22], $0x2FFFF;
	_ =	strace $0x9FFFFFFF  }
0xd0: {  	(tm) =	ssettm $0x7FFFFFFF  }
0xd1: {  	_ =	shalt  }
tec
execute0_lowered:
.L_overlay_start_1:
0x0: {  	(tag) =	ssettag $0x1  }
0x1: {  	s1 =	srdreg.scid;
	s0 =	stileid.u32  }
0x2: {  	s6 =	sand.u32 $0x1, s1;
	s30 =	sshll.u32 s0, $0x1  }
0x3: {  	s9 =	rddreg [dreg:$0x0];
	s7 =	sor.u32 s6, s30  }
0x4: {  	s2 =	simm.s32 $0x0;
	s1 =	rddreg [dreg:$0x1];
	s3 =	smul.u32 $0x9, s7  }
0x5: {  	s8 =	simm.s32 $0x1;
	[smem:$0x7FF] =	sst s2;
	s5 =	sadd.s32 $0x2800, s9  }
0x6: {  	_ =	strace $0x8000004D;
	s11 =	ssub.s32 $0x2, s6;
	s3 =	sadd.s32 s3, s9  }
0x7: {  	s6 =	simm.s32 $0x48;
	s4 =	sadd.s32 $0x18C00, s3;
	s3 =	simm.s32 $0x2  }
0x8: {  	[tilespmem:s2], [sflag:$0x2] =	stream.linear.gather [hbm4b:s4+s2], $0x48, $0x38;
	[tilespmem:$0x2480] =	vst v63  }
0x9: {  	s10 =	smul.u32 $0x480, s7;
	s12 =	sshrl.u32 s11, $0x1;
	_ =	swait.ge [sflag:s3], $0x48  }
0xa: {  	s7 =	simm.s32 $0x80;
	s31 =	ssub.s32 s11, s12;
	[sflag:s3] =	ssyncset.done $0x0  }
0xb: {  	s9 =	sadd.s32 s10, s9;
	s10 =	smax.u32 s31, $0x1;
	[sflag:s3] =	ssyncadd.s32 $0xFFFFFFB8  }
0xc: {  	[tilespmem:s7], [sflag:$0x1] =	stream.indirect.gather [hbm4b:s5+s6], $0x80, s2, s6, $0xb8;
	[tilespmem:$0x2480] =	vst v63  }
0xd: {  	p0 =	sne.s32 s10, $0x1;
	_ =	swait.ge [sflag:s8], $0x2400  }
.Ltmp0:
0xe: {  	[sflag:s8] =	ssyncset.done $0x0;
	(pc) =	sbr.rel @!p0 .LBB2_2-.Ltmp0, $4  }
0xf: {  	s9 =	sadd.s32 $0x18E00, s9;
	[sflag:s8] =	ssyncadd.s32 $0xFFFFDC00  }
0x10: {  	[hbm4b:s9+s2] =	stream.linear.scatter [tilespmem:s7], [sflag:$0x2], $0x2400, $0x38;
	[tilespmem:$0x2480] =	vst v63  }
0x11: {  	_ =	swait.ge [sflag:s3], $0x2400  }
0x12: {  	s10 =	sadd.s32 $0xFFFFFFFF, s10;
	[sflag:s3] =	ssyncset.done $0x0  }
.LBB2_1:
0x13: {  	p0 =	sne.s32 s10, $0x1;
	s10 =	sadd.s32 $0xFFFFFFFF, s10;
	[sflag:s3] =	ssyncadd.s32 $0xFFFFDC00  }
0x14: {  	[tilespmem:s2], [sflag:$0x2] =	stream.linear.gather [hbm4b:s4+s2], $0x48, $0x38;
	[tilespmem:$0x2480] =	vst v63  }
0x15: {  	_ =	swait.ge [sflag:s3], $0x48  }
0x16: {  	[sflag:s3] =	ssyncset.done $0x0  }
0x17: {  	[sflag:s3] =	ssyncadd.s32 $0xFFFFFFB8  }
0x18: {  	[tilespmem:s7], [sflag:$0x1] =	stream.indirect.gather [hbm4b:s5+s6], $0x80, s2, s6, $0xb8;
	[tilespmem:$0x2480] =	vst v63  }
0x19: {  	_ =	swait.ge [sflag:s8], $0x2400  }
.Ltmp1:
0x1a: {  	[sflag:s8] =	ssyncset.done $0x0;
	(pc) =	sbr.rel @p0 .LBB2_1-.Ltmp1, $4  }
0x1b: {  	[sflag:s8] =	ssyncadd.s32 $0xFFFFDC00  }
0x1c: {  	[hbm4b:s9+s2] =	stream.linear.scatter [tilespmem:s7], [sflag:$0x2], $0x2400, $0x38;
	[tilespmem:$0x2480] =	vst v63  }
0x1d: {  	_ =	swait.ge [sflag:s3], $0x2400  }
0x1e: {  	[sflag:s3] =	ssyncset.done $0x0  }
.LBB2_2:
0x1f: {  	[sflag:s3] =	ssyncadd.s32 $0xFFFFDC00  }
0x20: {  	_ =	sfence.sel $0x180000  }
0x21: {  	[bflag:$0x0] =	sbarrier.arrive $0xFFFF  }
0x22: {  	p0 =	sne.s32 s0, $0x0;
	_ =	strace $0x9000004D  }
0x23: {  	s0 =	sadd.s32 @!p0 $0x100000, s1;
	[bflag:$0x2] =	sbarrier.arrive $0xFFFF  }
0x24: {  	[sflag:s0] =	ssyncadd.tile.s32 @!p0 $0x1;
	_ =	shalt  }
.Lfunc_end2:
_tile_overlayer_lowered:
.L_overlay_start_2:
0x25: {  	(tag) =	ssettag $0x2  }
0x26: {  	s0 =	rddreg [dreg:$0x0];
	s2 =	stileid.u32  }
0x27: {  	s1 =	rddreg [dreg:$0x1];
	p0 =	sne.s32 s2, $0x0  }
0x28: {  	s3 =	rddreg [dreg:$0x2];
	[bflag:$0x3] =	sbarrier.arrive $0xFFFF;
	s2 =	simm.s32 @!p0 $0x1C02  }
0x29: {  	[timem:s3], [sflag:s2] =	dma.local @!p0 [hbm:s0], s1  }
0x2a: {  	s0 =	simm.s32 @!p0 $0x2  }
0x2b: {  	_ =	swait.ge @!p0 [sflag:s0], s1  }
0x2c: {  	s1 =	ssub.s32 @!p0 $0x0, s1;
	[sflag:s0] =	ssyncset.done @!p0 $0x0  }
0x2d: {  	[sflag:s0] =	ssyncadd.s32 @!p0 s1  }
0x2e: {  	[bflag:$0x3] =	sbarrier.arrive $0xFFFF  }
0x2f: {  	_ =	shalt  }

// kernel: kernel.20.cloned.1.call-start
scs
__scs_entry_jumppad:
0x0: {  	(pc) =	sbr.rel $0x88, $3  }
0x1: {  	(tag) =	ssettag $0x0;
	lr =	simm.s32 $0x1  }
0x2: {  	[smem:$0x3F9F] =	sst lr;
	_ =	strace $0xD0000000  }
0x3: {  	_ = 	snop  }
0x4: {  	_ = 	snop  }
0x5: {  	_ = 	snop  }
0x6: {  	_ = 	snop  }
0x7: {  	_ = 	snop  }
__scs_overlays_trampoline_lowered:
0x8: {  	[smem:$0x3FAE] =	sst s0  }
0x9: {  	[smem:$0x3FAF] =	sst s1  }
0xa: {  	[smem:$0x3FB0] =	sst s2  }
0xb: {  	[smem:$0x3FB1] =	sst s3  }
0xc: {  	[smem:$0x3FB2] =	sst s4  }
0xd: {  	[smem:$0x3FB3] =	sst s5  }
0xe: {  	[smem:$0x3FB4] =	sst s6  }
0xf: {  	[smem:$0x3FB5] =	sst s7  }
0x10: {  	[smem:$0x3FB6] =	sst s8  }
0x11: {  	[smem:$0x3FB7] =	sst s9;
	s0 =	simm.s32 @!p0 $0x0  }
0x12: {  	s1 =	sld [smem:$0x3F9D];
	s0 =	simm.s32 @p0 $0x1  }
0x13: {  	[smem:$0x3FB8] =	sst s0;
	s0 =	simm.s32 @!p1 $0x0  }
0x14: {  	s2 =	sld [smem:$0x3F9C];
	s0 =	simm.s32 @p1 $0x1  }
0x15: {  	[smem:$0x3FB9] =	sst s0;
	s0 =	simm.s32 @!p2 $0x0  }
0x16: {  	s3 =	sld [smem:$0x3FDB];
	s0 =	simm.s32 @p2 $0x1  }
0x17: {  	s4 =	simm.s32 $0x1BF5;
	[smem:$0x3FBB] =	sst s0  }
0x18: {  	s0 =	sld [smem:$0x3F9E];
	_ =	swait.ge [sflag:s4], $0x0  }
0x19: {  	s7 =	sld [smem:$0x3F9F]  }
0x1a: {  	s8 =	sadd.s32 $0xFFFFE003, lr  }
0x1b: {  	s9 =	sadd.s32 $0xFFFFFEF7, lr;
	s5 =	simm.s32 $0xFFFFFFFF;
	p2 =	slt.u32 s8, $0xFFFFF086  }
0x1c: {  	p1 =	slt.u32 s9, $0xF7A;
	s5 =	simm.s32 @!p2 $0x0  }
0x1d: {  	s5 =	simm.s32 @p1 $0x1;
	p0 =	seq.s32 s7, s2  }
0x1e: {  	s7 =	smul.u32 @!p0 $0xF7A, s2;
	p2 =	seq.s32 @!p0 s5, $0x0  }
0x1f: {  	s9 =	smul.u32 $0xF7A, s1;
	s8 =	simm.s32 @!p0 $0x1BF5;
	p2 =	por !p2, p0  }
0x20: {  	[sflag:s8] =	ssyncset.s32 @!p0 $0xFFFFF086;
	s6 =	sadd.s32 @!p0 s3, s7;
	s7 =	simm.s32 @!p0 $0x108  }
0x21: {  	s3 =	sadd.s32 s3, s9;
	s6 =	sadd.s32 @!p0 $0x88, s6;
	s7 =	simm.s32 @p2 $0x1082  }
0x22: {  	[simem:s7], [sflag:s8] =	dma.local @!p0 [hbm:s6], $0xF7A  }
0x23: {  	s9 =	sor.u32 $0xD0000000, s2;
	s6 =	simm.s32 $0x108;
	_ =	swait.ge @!p0 [sflag:s8], $0x0  }
0x24: {  	s3 =	sadd.s32 $0x88, s3;
	s6 =	simm.s32 @!p1 $0x1082;
	[sflag:s4] =	ssyncset.s32 $0xFFFFF086  }
0x25: {  	[simem:s6], [sflag:s4] =	dma.local [hbm:s3], $0xF7A  }
0x26: {  	[smem:$0x3F9F] =	sst s1;
	(tag) =	ssettag s2;
	_ =	strace s9  }
0x27: {  	s1 =	sld [smem:$0x3FAF]  }
0x28: {  	s2 =	sld [smem:$0x3FB0]  }
0x29: {  	s4 =	sld [smem:$0x3FB2]  }
0x2a: {  	p0 =	seq.s32 s5, $0x0;
	s5 =	sld [smem:$0x3FB3]  }
0x2b: {  	s6 =	sld [smem:$0x3FB4]  }
0x2c: {  	s7 =	sld [smem:$0x3FB5]  }
0x2d: {  	s3 =	simm.s32 $0x108;
	s8 =	sld [smem:$0x3FB6]  }
0x2e: {  	s3 =	simm.s32 @!p0 $0x1082;
	s9 =	sld [smem:$0x3FB7]  }
0x2f: {  	lr =	sadd.s32 s0, s3;
	s0 =	sld [smem:$0x3FAE]  }
0x30: {  	s3 =	sld [smem:$0x3FB1]  }
0x31: {  	[smem:$0x3FBA] =	sst s10  }
0x32: {  	s10 =	sld [smem:$0x3FB8];
	_ =	sdelay $0x3  }
0x33: {  	p0 =	seq.s32 s10, $0x1;
	s10 =	sld [smem:$0x3FBA];
	_ =	sdelay $0x3  }
0x34: {  	[smem:$0x3FBA] =	sst s10  }
0x35: {  	s10 =	sld [smem:$0x3FB9];
	_ =	sdelay $0x3  }
0x36: {  	p1 =	seq.s32 s10, $0x1;
	s10 =	sld [smem:$0x3FBA];
	_ =	sdelay $0x3  }
0x37: {  	[smem:$0x3FBA] =	sst s10  }
0x38: {  	s10 =	sld [smem:$0x3FBB]  }
0x39: {  	_ = 	snop;
	(pc) =	sbr.ind lr, $3  }
0x3a: {  	_ = 	snop  }
0x3b: {  	_ = 	snop  }
0x3c: {  	p2 =	seq.s32 s10, $0x1;
	s10 =	sld [smem:$0x3FBA]  }
0x3d: {  	_ =	shalt  }
0x3e: {  	_ =	shalt  }
0x3f: {  	_ =	shalt  }
0x40: {  	_ =	shalt  }
0x41: {  	_ =	shalt  }
0x42: {  	_ =	shalt  }
0x43: {  	_ =	shalt  }
0x44: {  	_ =	shalt  }
0x45: {  	_ =	shalt  }
0x46: {  	_ =	shalt  }
0x47: {  	_ =	shalt  }
0x48: {  	_ =	shalt  }
0x49: {  	_ =	shalt  }
0x4a: {  	_ =	shalt  }
0x4b: {  	_ =	shalt  }
0x4c: {  	_ =	shalt  }
0x4d: {  	_ =	shalt  }
0x4e: {  	_ =	shalt  }
0x4f: {  	_ =	shalt  }
0x50: {  	_ =	shalt  }
0x51: {  	_ =	shalt  }
0x52: {  	_ =	shalt  }
0x53: {  	_ =	shalt  }
0x54: {  	_ =	shalt  }
0x55: {  	_ =	shalt  }
0x56: {  	_ =	shalt  }
0x57: {  	_ =	shalt  }
0x58: {  	_ =	shalt  }
0x59: {  	_ =	shalt  }
0x5a: {  	_ =	shalt  }
0x5b: {  	_ =	shalt  }
0x5c: {  	_ =	shalt  }
0x5d: {  	_ =	shalt  }
0x5e: {  	_ =	shalt  }
0x5f: {  	_ =	shalt  }
0x60: {  	_ =	shalt  }
0x61: {  	_ =	shalt  }
0x62: {  	_ =	shalt  }
0x63: {  	_ =	shalt  }
0x64: {  	_ =	shalt  }
0x65: {  	_ =	shalt  }
0x66: {  	_ =	shalt  }
0x67: {  	_ =	shalt  }
0x68: {  	_ =	shalt  }
0x69: {  	_ =	shalt  }
0x6a: {  	_ =	shalt  }
0x6b: {  	_ =	shalt  }
0x6c: {  	_ =	shalt  }
0x6d: {  	_ =	shalt  }
0x6e: {  	_ =	shalt  }
0x6f: {  	_ =	shalt  }
0x70: {  	_ =	shalt  }
0x71: {  	_ =	shalt  }
0x72: {  	_ =	shalt  }
0x73: {  	_ =	shalt  }
0x74: {  	_ =	shalt  }
0x75: {  	_ =	shalt  }
0x76: {  	_ =	shalt  }
0x77: {  	_ =	shalt  }
0x78: {  	_ =	shalt  }
0x79: {  	_ =	shalt  }
0x7a: {  	_ =	shalt  }
0x7b: {  	_ =	shalt  }
0x7c: {  	_ =	shalt  }
0x7d: {  	_ =	shalt  }
0x7e: {  	_ =	shalt  }
0x7f: {  	_ =	shalt  }
0x80: {  	_ =	shalt  }
0x81: {  	_ =	shalt  }
0x82: {  	_ =	shalt  }
0x83: {  	_ =	shalt  }
0x84: {  	_ =	shalt  }
0x85: {  	_ =	shalt  }
0x86: {  	_ =	shalt  }
0x87: {  	_ =	shalt  }
.Lfunc_end0:
.L_simem_size_0:
called_computation.3_lowered:
.L_overlay_start_0:
0x88: {  	s2 =	sld [smem:$0x3FD9]  }
0x89: {  	s3 =	sld [smem:$0x3FFE];
	_ =	sdelay $0x1  }
0x8a: {  	s1 =	srdreg.scid  }
0x8b: {  	s0 =	sand.u32 $0x1, s1  }
0x8c: {  	s15 =	sshll.u32 s0, $0xA;
	s2 =	sadd.s32 s3, s2  }
0x8d: {  	s2 =	sadd.s32 s2, s15  }
0x8e: {  	[smem:$0x3FC6] =	sst s2  }
0x8f: {  	_ = 	snop  }
0x90: {  	s2 =	sld [smem:$0x3FD0];
	_ =	sdelay $0x2  }
0x91: {  	s16 =	simm.s32 $0xD;
	s4 =	simm.s32 $0x10  }
0x92: {  	[smem:s4], [sflag:s16] =	dma.local [hbm:s2], $0x1  }
0x93: {  	_ =	swait.eq [sflag:s16], $0x1  }
0x94: {  	[sflag:s16] =	ssyncset.done $0x0  }
0x95: {  	[sflag:s16] =	ssyncadd.s32 $0xFFFFFFFF  }
0x96: {  	s17 =	sld [smem:$0x10];
	(tm) =	ssettm $0x1  }
0x97: {  	s18 =	sld [smem:$0x3FFB];
	_ =	sdelay $0x3  }
0x98: {  	_ =	strace s18  }
0x99: {  	s2 =	sld [smem:$0x3FFC];
	_ =	sdelay $0x3  }
0x9a: {  	_ =	strace s2  }
0x9b: {  	s2 =	sld [smem:$0x3FFD];
	_ =	sdelay $0x3  }
0x9c: {  	_ =	strace s2  }
0x9d: {  	_ =	strace $0x8FFFFFFF  }
0x9e: {  	s19 =	sld [smem:$0x3FDB];
	_ =	sdelay $0x1  }
0x9f: {  	s20 =	simm.s32 $_scs_section_size  }
0xa0: {  	s5 =	simm.s32 $_size__tile_overlayer_lowered;
	s6 =	simm.s32 $_tile_overlayer_lowered  }
0xa1: {  	s7 =	simm.s32 $0x1BFF;
	s21 =	sshll.u32 s6, $0x1;
	s4 =	sadd.s32 s20, s19  }
0xa2: {  	s22 =	simm.s32 $0x0;
	s5 =	sshll.u32 s5, $0x1;
	s6 =	sadd.s32 s21, s4  }
0xa3: {  	[timem:s22], [sflag:s7] =	dma.local [hbm:s6], s5  }
0xa4: {  	_ =	swait.ge [sflag:s7], s5  }
0xa5: {  	s5 =	ssub.s32 $0x0, s5;
	[sflag:s7] =	ssyncset.done $0x0  }
0xa6: {  	[sflag:s7] =	ssyncadd.s32 s5;
	_ =	sdelay $0x1  }
0xa7: {  	s23 =	simm.s32 $0x1B8B  }
0xa8: {  	_ =	swait.ge [sflag:s23], $0x1  }
0xa9: {  	[sflag:s23] =	ssyncset.done $0x0  }
0xaa: {  	[sflag:s23] =	ssyncadd.s32 $0xFFFFFFFF  }
0xab: {  	s5 =	sld [smem:$0x0]  }
0xac: {  	s6 =	sand.u32 $0xFFFFFFFE, s1  }
0xad: {  	p0 =	sne.s32 s1, s6  }
0xae: {  	s6 =	sshll.u32 @p0 s6, $0xE  }
0xaf: {  	s6 =	sadd.s32 @p0 $0x11B8D, s6;
	s7 =	sshll.u32 @p0 s5, $0x11  }
0xb0: {  	s6 =	sor.u32 @p0 s7, s6  }
0xb1: {  	[sflag:s6] =	ssyncadd.remote.s32 @p0 $0x1;
	_ =	sdelay $0x1  }
0xb2: {  	s6 =	simm.s32 @p0 $0x1B8D  }
0xb3: {  	_ =	swait.eq @p0 [sflag:s6], $0x1  }
0xb4: {  	[sflag:s6] =	ssyncadd.s32 @p0 $0xFFFFFFFF  }
0xb5: {  	s7 =	sshll.u32 @!p0 s1, $0xE  }
0xb6: {  	s7 =	sor.u32 @!p0 $0x4000, s7;
	s6 =	simm.s32 @!p0 $0x1B8D  }
0xb7: {  	s5 =	sshll.u32 @!p0 s5, $0x11;
	s7 =	sadd.s32 @!p0 $0x11B8D, s7;
	_ =	swait.eq @!p0 [sflag:s6], $0x1  }
0xb8: {  	s5 =	sor.u32 @!p0 s5, s7;
	[sflag:s6] =	ssyncadd.s32 @!p0 $0xFFFFFFFF  }
0xb9: {  	s25 =	simm.s32 $0x1B8E;
	s24 =	sld [smem:$0x3FFE];
	[sflag:s5] =	ssyncadd.remote.s32 @!p0 $0x1  }
0xba: {  	s26 =	simm.s32 $execute0_lowered;
	[smem:$0x3FD2] =	sst s25  }
0xbb: {  	s6 =	sshll.u32 s26, $0x1;
	_ =	strace $0x8000004F;
	[dreg:$0x1] =	wrdreg $0xFFFFFFFF  }
0xbc: {  	s28 =	simm.s32 $_size_execute0_lowered;
	s4 =	sadd.s32 s4, s6;
	[dreg:$0x0] =	wrdreg $0x0  }
0xbd: {  	s6 =	sshll.u32 s28, $0x1;
	[dreg:$0x2] =	wrdreg s4  }
0xbe: {  	[dreg:$0x3] =	wrdreg s6  }
0xbf: {  	[dreg:$0x4] =	wrdreg $0xC0  }
0xc0: {  	_ =	task [dreg:s22], $0x5FFFF  }
0xc1: {  	[dreg:$0x1] =	wrdreg $0xFFFFFFFF  }
0xc2: {  	[dreg:$0x0] =	wrdreg $0x60  }
0xc3: {  	[dreg:$0x2] =	wrdreg s24  }
0xc4: {  	[dreg:$0x3] =	wrdreg s17  }
0xc5: {  	[dreg:$0x4] =	wrdreg $0xC  }
0xc6: {  	_ =	task.clear_ibuf [dreg:s22], $0x5FFFF;
	_ =	strace $0x9000004F  }
0xc7: {  	s29 =	simm.s32 $0xC;
	_ =	strace $0x80000051  }
0xc8: {  	_ =	swait.ge [sflag:s29], $0x1  }
0xc9: {  	[sflag:s29] =	ssyncadd.s32 $0xFFFFFFFF  }
0xca: {  	_ =	strace $0x90000051  }
0xcb: {  	_ =	sfence  }
0xcc: {  	s30 =	sld [smem:$0x0];
	_ =	sdelay $0x2  }
0xcd: {  	s31 =	sshll.u32 s1, $0xD;
	s1 =	sshrl.u32 s1, $0x2  }
0xce: {  	s4 =	sand.u32 $0x4000, s31;
	s1 =	sadd.s32 s1, s30  }
0xcf: {  	s0 =	sor.u32 s4, s0;
	s1 =	sshll.u32 s1, $0x11  }
0xd0: {  	s0 =	sor.u32 s1, s0  }
0xd1: {  	s0 =	sadd.s32 $0x8F2B, s0  }
0xd2: {  	[sflag:s0] =	ssyncadd.remote.s32 $0x1  }
0xd3: {  	_ =	sfence.sel $0xFFFF  }
0xd4: {  	[dreg:$0x0] =	wrdreg $0xFFFFFFFF;
	(pc) =	sbr.abs _section_cstart, $3  }
0xd5: {  	[dreg:$0x1] =	wrdreg $0xFFFFFFFF  }
0xd6: {  	_ =	task.clear_ibuf [dreg:s22], $0x2FFFF;
	_ =	strace $0x9FFFFFFF  }
0xd7: {  	(tm) =	ssettm $0x7FFFFFFF  }
tec
execute0_lowered:
.L_overlay_start_1:
0x0: {  	(tag) =	ssettag $0x1  }
0x1: {  	s1 =	srdreg.scid;
	s0 =	stileid.u32  }
0x2: {  	s6 =	sand.u32 $0x1, s1;
	s30 =	sshll.u32 s0, $0x1  }
0x3: {  	s5 =	rddreg [dreg:$0x0];
	s9 =	sor.u32 s6, s30  }
0x4: {  	s10 =	rddreg [dreg:$0x1];
	s2 =	simm.s32 $0x0;
	s3 =	smul.u32 $0x9, s9  }
0x5: {  	s7 =	simm.s32 $0x80;
	[smem:$0x7FF] =	sst s2  }
0x6: {  	s1 =	rddreg [dreg:$0x2];
	_ =	strace $0x80000050;
	s3 =	sadd.s32 s3, s5  }
0x7: {  	s11 =	ssub.s32 $0x2, s6;
	s4 =	sadd.s32 $0x21E00, s3;
	s3 =	simm.s32 $0x2  }
0x8: {  	[tilespmem:s2], [sflag:$0x2] =	stream.linear.gather [hbm4b:s4+s2], $0x48, $0x38;
	[tilespmem:$0x2480] =	vst v63  }
0x9: {  	s8 =	simm.s32 $0x1;
	s12 =	sshrl.u32 s11, $0x1;
	_ =	swait.ge [sflag:s3], $0x48  }
0xa: {  	s6 =	simm.s32 $0x48;
	s11 =	ssub.s32 s11, s12;
	[sflag:s3] =	ssyncset.done $0x0  }
0xb: {  	s5 =	sadd.s32 $0x2800, s5;
	s31 =	smax.u32 s11, $0x1;
	[sflag:s3] =	ssyncadd.s32 $0xFFFFFFB8  }
0xc: {  	[tilespmem:s7], [sflag:$0x1] =	stream.indirect.gather [hbm4b:s5+s6], $0x80, s2, s6, $0xb8;
	[tilespmem:$0x2480] =	vst v63  }
0xd: {  	s9 =	smul.u32 $0x480, s9;
	p0 =	sne.s32 s31, $0x1;
	_ =	swait.ge [sflag:s8], $0x2400  }
.Ltmp0:
0xe: {  	[sflag:s8] =	ssyncset.done $0x0;
	(pc) =	sbr.rel @!p0 .LBB2_2-.Ltmp0, $4  }
0xf: {  	s9 =	sadd.s32 s10, s9;
	[sflag:s8] =	ssyncadd.s32 $0xFFFFDC00  }
0x10: {  	[hbm4b:s9+s2] =	stream.linear.scatter [tilespmem:s7], [sflag:$0x2], $0x2400, $0x38;
	[tilespmem:$0x2480] =	vst v63  }
0x11: {  	_ =	swait.ge [sflag:s3], $0x2400  }
0x12: {  	s10 =	sadd.s32 $0xFFFFFFFF, s31;
	[sflag:s3] =	ssyncset.done $0x0  }
.LBB2_1:
0x13: {  	p0 =	sne.s32 s10, $0x1;
	s10 =	sadd.s32 $0xFFFFFFFF, s10;
	[sflag:s3] =	ssyncadd.s32 $0xFFFFDC00  }
0x14: {  	[tilespmem:s2], [sflag:$0x2] =	stream.linear.gather [hbm4b:s4+s2], $0x48, $0x38;
	[tilespmem:$0x2480] =	vst v63  }
0x15: {  	_ =	swait.ge [sflag:s3], $0x48  }
0x16: {  	[sflag:s3] =	ssyncset.done $0x0  }
0x17: {  	[sflag:s3] =	ssyncadd.s32 $0xFFFFFFB8  }
0x18: {  	[tilespmem:s7], [sflag:$0x1] =	stream.indirect.gather [hbm4b:s5+s6], $0x80, s2, s6, $0xb8;
	[tilespmem:$0x2480] =	vst v63  }
0x19: {  	_ =	swait.ge [sflag:s8], $0x2400  }
.Ltmp1:
0x1a: {  	[sflag:s8] =	ssyncset.done $0x0;
	(pc) =	sbr.rel @p0 .LBB2_1-.Ltmp1, $4  }
0x1b: {  	[sflag:s8] =	ssyncadd.s32 $0xFFFFDC00  }
0x1c: {  	[hbm4b:s9+s2] =	stream.linear.scatter [tilespmem:s7], [sflag:$0x2], $0x2400, $0x38;
	[tilespmem:$0x2480] =	vst v63  }
0x1d: {  	_ =	swait.ge [sflag:s3], $0x2400  }
0x1e: {  	[sflag:s3] =	ssyncset.done $0x0  }
.LBB2_2:
0x1f: {  	[sflag:s3] =	ssyncadd.s32 $0xFFFFDC00  }
0x20: {  	_ =	sfence.sel $0x180000  }
0x21: {  	[bflag:$0x0] =	sbarrier.arrive $0xFFFF  }
0x22: {  	p0 =	sne.s32 s0, $0x0;
	_ =	strace $0x90000050  }
0x23: {  	s0 =	sadd.s32 @!p0 $0x100000, s1;
	[bflag:$0x2] =	sbarrier.arrive $0xFFFF  }
0x24: {  	[sflag:s0] =	ssyncadd.tile.s32 @!p0 $0x1;
	_ =	shalt  }
.Lfunc_end2:
_tile_overlayer_lowered:
.L_overlay_start_2:
0x25: {  	(tag) =	ssettag $0x2  }
0x26: {  	s0 =	rddreg [dreg:$0x0];
	s2 =	stileid.u32  }
0x27: {  	s1 =	rddreg [dreg:$0x1];
	p0 =	sne.s32 s2, $0x0  }
0x28: {  	s3 =	rddreg [dreg:$0x2];
	[bflag:$0x3] =	sbarrier.arrive $0xFFFF;
	s2 =	simm.s32 @!p0 $0x1C02  }
0x29: {  	[timem:s3], [sflag:s2] =	dma.local @!p0 [hbm:s0], s1  }
0x2a: {  	s0 =	simm.s32 @!p0 $0x2  }
0x2b: {  	_ =	swait.ge @!p0 [sflag:s0], s1  }
0x2c: {  	s1 =	ssub.s32 @!p0 $0x0, s1;
	[sflag:s0] =	ssyncset.done @!p0 $0x0  }
0x2d: {  	[sflag:s0] =	ssyncadd.s32 @!p0 s1  }
0x2e: {  	[bflag:$0x3] =	sbarrier.arrive $0xFFFF  }
0x2f: {  	_ =	shalt  }

</sc_bundles>
